<compile_context>
chip_gen: v7x
topology: tpu7x:2x2x1
jax: 0.10.2.dev20260603
libtpu: 0.0.44.dev20260713+nightly
codegen_flags: <defaults>
</compile_context>

<pallas_src>
import jax
import jax.numpy as jnp
from jax import lax
from jax.experimental import pallas as pl
from jax.experimental.pallas import tpu as pltpu
from jax.experimental.pallas import tpu_sc as plsc

_N = 10000
_E = 320000
_D = 128

_info = plsc.get_sparse_core_info()
_NC = _info.num_cores
_NS = _info.num_subcores
_L = _info.num_lanes

_EPC = _E // _NC
_CH = 128
_EPTA = 10112
_CHA = _EPTA // _CH
_CHB = (_EPC - (_NS - 1) * _EPTA) // _CH
_RPT = 632
_RLAST = _N - (_NS - 1) * _RPT
_ZR = 104


def _body(edge_hbm, ew_hbm, out_hbm, acc, ib0, ib1, wb0, wb1, zbuf,
          sem0, sem1):
    c = lax.axis_index("c")
    s = lax.axis_index("s")
    ebase = c * _EPC + s * _EPTA
    nchunks = jnp.where(s == _NS - 1, _CHB, _CHA)
    ibufs = (ib0, ib1)
    wbufs = (wb0, wb1)
    sems = (sem0, sem1)

    def start_load(k, p):
        off = ebase + k * _CH
        pltpu.async_copy(
            edge_hbm.at[pl.ds(0, 1), pl.ds(off, _CH)], ibufs[p], sems[p])
        pltpu.async_copy(ew_hbm.at[pl.ds(off, _CH)], wbufs[p], sems[p])

    def wait_load(k, p):
        off = ebase + k * _CH
        pltpu.make_async_copy(
            edge_hbm.at[pl.ds(0, 1), pl.ds(off, _CH)], ibufs[p], sems[p]).wait()
        pltpu.make_async_copy(
            ew_hbm.at[pl.ds(off, _CH)], wbufs[p], sems[p]).wait()

    def scatter(p):
        pltpu.sync_copy(wbufs[p], acc.at[ibufs[p].at[0]], add=True)

    start_load(0, 0)

    zeros = jnp.zeros((_L,), jnp.float32)

    def zfill(r, carry):
        for j in range(_D // _L):
            zbuf[r, pl.ds(j * _L, _L)] = zeros
        return carry

    lax.fori_loop(0, _ZR, zfill, 0)

    nrows = jnp.where(s == _NS - 1, _RLAST, _RPT)
    r0 = s * _RPT

    def zblk(t, carry):
        pltpu.sync_copy(zbuf, acc.at[pl.ds(r0 + t * _ZR, _ZR)])
        return carry

    lax.fori_loop(0, nrows // _ZR, zblk, 0)
    @pl.when(s < _NS - 1)
    def _():
        pltpu.sync_copy(zbuf.at[pl.ds(0, _RPT - (_RPT // _ZR) * _ZR)],
                        acc.at[pl.ds(r0 + (_RPT // _ZR) * _ZR,
                                     _RPT - (_RPT // _ZR) * _ZR)])
    plsc.subcore_barrier()

    def group(g, carry):
        k0 = 2 * g
        start_load(k0 + 1, 1)
        wait_load(k0, 0)
        scatter(0)
        start_load(k0 + 2, 0)
        wait_load(k0 + 1, 1)
        scatter(1)
        return carry

    ngroups = nchunks // 2
    lax.fori_loop(0, ngroups, group, 0)
    last = 2 * ngroups
    wait_load(last, 0)
    scatter(0)

    plsc.subcore_barrier()
    pltpu.sync_copy(acc.at[pl.ds(r0, nrows)], out_hbm.at[c, pl.ds(r0, nrows)])


_scatter = pl.kernel(
    _body,
    out_type=jax.ShapeDtypeStruct((_NC, _N, _D), jnp.float32),
    mesh=plsc.VectorSubcoreMesh(core_axis_name="c", subcore_axis_name="s"),
    scratch_types=[
        pltpu.VMEM_SHARED((_N, _D), jnp.float32),
        pltpu.VMEM((1, _CH), jnp.int32),
        pltpu.VMEM((1, _CH), jnp.int32),
        pltpu.VMEM((_CH, _D), jnp.float32),
        pltpu.VMEM((_CH, _D), jnp.float32),
        pltpu.VMEM((_ZR, _D), jnp.float32),
        pltpu.SemaphoreType.DMA,
        pltpu.SemaphoreType.DMA,
    ],
)


def _combine_body(p_ref, o_ref):
    o_ref[...] = p_ref[0] + p_ref[1]


def _combine(partials):
    grid = 5
    rows = _N // grid
    return pl.pallas_call(
        _combine_body,
        out_shape=jax.ShapeDtypeStruct((_N, _D), jnp.float32),
        grid=(grid,),
        in_specs=[pl.BlockSpec((_NC, rows, _D), lambda i: (0, i, 0))],
        out_specs=pl.BlockSpec((rows, _D), lambda i: (i, 0)),
    )(partials)


def kernel(edge, edge_w, N, E, out_features):
    partials = _scatter(jnp.asarray(edge, jnp.int32),
                        jnp.asarray(edge_w, jnp.float32))
    return _combine(partials)

# --- scband reference (transcript-rebuilt; emitter-appended) ---
"""Pipeline reference for scband-gr-cnet-spmm-7962869367666 (READ-ONLY COPY).

The authoritative reference and input builder live on the scoring server;
editing this copy changes nothing except your own understanding.
"""

import jax, jax.numpy as jnp
import numpy as np

N_NODES = 10000
N_EDGES = 320000
OUT_FEATURES = 128


def setup_inputs(seed: int = 0) -> dict:
    key = jax.random.key(seed)
    k1, k2 = jax.random.split(key)
    edge = jax.random.randint(k1, (2, N_EDGES), 0, N_NODES, dtype=jnp.int64) if jax.config.jax_enable_x64 else jax.random.randint(k1, (2, N_EDGES), 0, N_NODES, dtype=jnp.int32)
    edge_w = jax.random.normal(k2, (N_EDGES, OUT_FEATURES), dtype=jnp.float32)
    return {"edge": edge, "edge_w": edge_w, "N": N_NODES, "E": N_EDGES, "out_features": OUT_FEATURES}


def reference(edge, edge_w, N, E, out_features):
    # torch.sparse_coo_tensor(edge, edge_w, [N, N, out_features]) followed by
    # torch.sparse.sum(a, dim=1).to_dense() is equivalent to a scatter-add of
    # edge_w into rows indexed by edge[0] (the first sparse index), since
    # summing over dim=1 collapses the second index entirely.
    zero = ((jnp.asarray(N) + jnp.asarray(E) + jnp.asarray(out_features)) * 0).astype(edge.dtype)
    segment_ids = edge[0] + zero
    out = jax.ops.segment_sum(edge_w, segment_ids, num_segments=N_NODES)
    return out

if __name__ == "__main__":
    import jax
    _d = setup_inputs()
    print(jax.jit(kernel)(*tuple(_d.values())))

</pallas_src>

<mosaic_0001>
#map = affine_map<(d0, d1) -> (0, 0)>
#map1 = affine_map<(d0, d1) -> (0, 0, 0)>
module attributes {stable_mosaic.version = 14 : i64} {
  func.func @_body(%arg0: i32, %arg1: i32, %arg2: memref<2x320000xi32, #tpu.memory_space<hbm>>, %arg3: memref<320000x128xf32, #tpu.memory_space<hbm>>, %arg4: memref<2x10000x128xf32, #tpu.memory_space<hbm>>, %arg5: memref<10000x128xf32, #tpu.memory_space<vmem_shared>>, %arg6: memref<1x128xi32, #tpu.memory_space<vmem>>, %arg7: memref<1x128xi32, #tpu.memory_space<vmem>>, %arg8: memref<128x128xf32, #tpu.memory_space<vmem>>, %arg9: memref<128x128xf32, #tpu.memory_space<vmem>>, %arg10: memref<104x128xf32, #tpu.memory_space<vmem>>, %arg11: memref<!tpu.dma_semaphore, #tpu.memory_space<semaphore_mem>>, %arg12: memref<!tpu.dma_semaphore, #tpu.memory_space<semaphore_mem>>) attributes {dimension_semantics = [#tpu.dimension_semantics<core_parallel>, #tpu.dimension_semantics<subcore_parallel>], iteration_bounds = array<i64: 2, 16>, scalar_prefetch = 0 : i64, scratch_operands = 8 : i64, tpu.core_type = #tpu.core_type<sc_vector_subcore>, window_params = [{transform_indices = #map}, {transform_indices = #map}, {transform_indices = #map1}]} {
    %mul3A = arith.constant 160000 : i32
    %mul3A_0 = arith.muli %arg0, %mul3A : i32
    %mul3A_1 = arith.constant 10112 : i32
    %mul3A_2 = arith.muli %arg1, %mul3A_1 : i32
    %add3A = arith.addi %mul3A_0, %mul3A_2 : i32
    %eq3A = arith.constant 15 : i32
    %eq3A_3 = arith.cmpi eq, %arg1, %eq3A : i32
    %jit3A = arith.constant 65 : i32
    %jit3A_4 = arith.constant 79 : i32
    %select_n3A = arith.select %eq3A_3, %jit3A, %jit3A_4 : i32
    %add3A_5 = arith.constant 0 : i32
    %add3A_6 = arith.addi %add3A, %add3A_5 : i32
    %dma_start3A = arith.constant 0 : i32
    %dma_start3A_7 = tpu.memref_slice %arg2[%dma_start3A, %add3A_6] : memref<2x320000xi32, #tpu.memory_space<hbm>> -> memref<1x128xi32, #tpu.memory_space<hbm>>
    %dma_start3A_8 = arith.constant 0 : i32
    %dma_start3A_9 = tpu.memref_slice %arg2[%dma_start3A_8, %add3A_6] : memref<2x320000xi32, #tpu.memory_space<hbm>> -> memref<1x128xi32, #tpu.memory_space<hbm>>
    tpu.enqueue_dma source(%dma_start3A_9 : memref<1x128xi32, #tpu.memory_space<hbm>>) target(%arg6 : memref<1x128xi32, #tpu.memory_space<vmem>>) target_semaphore(%arg11 : memref<!tpu.dma_semaphore, #tpu.memory_space<semaphore_mem>>)
    %dma_start3A_10 = arith.constant 0 : i32
    %dma_start3A_11 = tpu.memref_slice %arg3[%add3A_6, %dma_start3A_10] : memref<320000x128xf32, #tpu.memory_space<hbm>> -> memref<128x128xf32, #tpu.memory_space<hbm>>
    %dma_start3A_12 = arith.constant 0 : i32
    %dma_start3A_13 = tpu.memref_slice %arg3[%add3A_6, %dma_start3A_12] : memref<320000x128xf32, #tpu.memory_space<hbm>> -> memref<128x128xf32, #tpu.memory_space<hbm>>
    tpu.enqueue_dma source(%dma_start3A_13 : memref<128x128xf32, #tpu.memory_space<hbm>>) target(%arg8 : memref<128x128xf32, #tpu.memory_space<vmem>>) target_semaphore(%arg11 : memref<!tpu.dma_semaphore, #tpu.memory_space<semaphore_mem>>)
    %broadcast_in_dim3A = arith.constant 0.000000e+00 : f32
    %broadcast_in_dim3A_14 = vector.broadcast %broadcast_in_dim3A : f32 to vector<16xf32>
    %scan3A = arith.constant 0 : i32
    %scan3A_15 = arith.constant 0 : i32
    %scan3A_16 = arith.constant 104 : i32
    %scan3A_17 = arith.addi %scan3A_15, %scan3A_16 : i32
    %scan3A_18 = arith.constant 1 : i32
    scf.for %scan3A_103 = %scan3A_15 to %scan3A_17 step %scan3A_18  : i32 {
      %swap3A = arith.index_cast %scan3A_103 : i32 to index
      %swap3A_104 = arith.constant 0 : index
      %swap3A_105 = tpu.vector_load %arg10[%swap3A, %swap3A_104] {strides = array<i32>} : memref<104x128xf32, #tpu.memory_space<vmem>>, vector<1x16xf32>,
      %swap3A_106 = vector.shape_cast %swap3A_105 : vector<1x16xf32> to vector<16xf32>
      %swap3A_107 = vector.shape_cast %broadcast_in_dim3A_14 : vector<16xf32> to vector<1x16xf32>
      tpu.vector_store %arg10[%swap3A, %swap3A_104], %swap3A_107 {strides = array<i32>} : memref<104x128xf32, #tpu.memory_space<vmem>>, vector<1x16xf32>,
      %swap3A_108 = arith.index_cast %scan3A_103 : i32 to index
      %swap3A_109 = arith.constant 16 : index
      %swap3A_110 = tpu.vector_load %arg10[%swap3A_108, %swap3A_109] {strides = array<i32>} : memref<104x128xf32, #tpu.memory_space<vmem>>, vector<1x16xf32>,
      %swap3A_111 = vector.shape_cast %swap3A_110 : vector<1x16xf32> to vector<16xf32>
      %swap3A_112 = vector.shape_cast %broadcast_in_dim3A_14 : vector<16xf32> to vector<1x16xf32>
      tpu.vector_store %arg10[%swap3A_108, %swap3A_109], %swap3A_112 {strides = array<i32>} : memref<104x128xf32, #tpu.memory_space<vmem>>, vector<1x16xf32>,
      %swap3A_113 = arith.index_cast %scan3A_103 : i32 to index
      %swap3A_114 = arith.constant 32 : index
      %swap3A_115 = tpu.vector_load %arg10[%swap3A_113, %swap3A_114] {strides = array<i32>} : memref<104x128xf32, #tpu.memory_space<vmem>>, vector<1x16xf32>,
      %swap3A_116 = vector.shape_cast %swap3A_115 : vector<1x16xf32> to vector<16xf32>
      %swap3A_117 = vector.shape_cast %broadcast_in_dim3A_14 : vector<16xf32> to vector<1x16xf32>
      tpu.vector_store %arg10[%swap3A_113, %swap3A_114], %swap3A_117 {strides = array<i32>} : memref<104x128xf32, #tpu.memory_space<vmem>>, vector<1x16xf32>,
      %swap3A_118 = arith.index_cast %scan3A_103 : i32 to index
      %swap3A_119 = arith.constant 48 : index
      %swap3A_120 = tpu.vector_load %arg10[%swap3A_118, %swap3A_119] {strides = array<i32>} : memref<104x128xf32, #tpu.memory_space<vmem>>, vector<1x16xf32>,
      %swap3A_121 = vector.shape_cast %swap3A_120 : vector<1x16xf32> to vector<16xf32>
      %swap3A_122 = vector.shape_cast %broadcast_in_dim3A_14 : vector<16xf32> to vector<1x16xf32>
      tpu.vector_store %arg10[%swap3A_118, %swap3A_119], %swap3A_122 {strides = array<i32>} : memref<104x128xf32, #tpu.memory_space<vmem>>, vector<1x16xf32>,
      %swap3A_123 = arith.index_cast %scan3A_103 : i32 to index
      %swap3A_124 = arith.constant 64 : index
      %swap3A_125 = tpu.vector_load %arg10[%swap3A_123, %swap3A_124] {strides = array<i32>} : memref<104x128xf32, #tpu.memory_space<vmem>>, vector<1x16xf32>,
      %swap3A_126 = vector.shape_cast %swap3A_125 : vector<1x16xf32> to vector<16xf32>
      %swap3A_127 = vector.shape_cast %broadcast_in_dim3A_14 : vector<16xf32> to vector<1x16xf32>
      tpu.vector_store %arg10[%swap3A_123, %swap3A_124], %swap3A_127 {strides = array<i32>} : memref<104x128xf32, #tpu.memory_space<vmem>>, vector<1x16xf32>,
      %swap3A_128 = arith.index_cast %scan3A_103 : i32 to index
      %swap3A_129 = arith.constant 80 : index
      %swap3A_130 = tpu.vector_load %arg10[%swap3A_128, %swap3A_129] {strides = array<i32>} : memref<104x128xf32, #tpu.memory_space<vmem>>, vector<1x16xf32>,
      %swap3A_131 = vector.shape_cast %swap3A_130 : vector<1x16xf32> to vector<16xf32>
      %swap3A_132 = vector.shape_cast %broadcast_in_dim3A_14 : vector<16xf32> to vector<1x16xf32>
      tpu.vector_store %arg10[%swap3A_128, %swap3A_129], %swap3A_132 {strides = array<i32>} : memref<104x128xf32, #tpu.memory_space<vmem>>, vector<1x16xf32>,
      %swap3A_133 = arith.index_cast %scan3A_103 : i32 to index
      %swap3A_134 = arith.constant 96 : index
      %swap3A_135 = tpu.vector_load %arg10[%swap3A_133, %swap3A_134] {strides = array<i32>} : memref<104x128xf32, #tpu.memory_space<vmem>>, vector<1x16xf32>,
      %swap3A_136 = vector.shape_cast %swap3A_135 : vector<1x16xf32> to vector<16xf32>
      %swap3A_137 = vector.shape_cast %broadcast_in_dim3A_14 : vector<16xf32> to vector<1x16xf32>
      tpu.vector_store %arg10[%swap3A_133, %swap3A_134], %swap3A_137 {strides = array<i32>} : memref<104x128xf32, #tpu.memory_space<vmem>>, vector<1x16xf32>,
      %swap3A_138 = arith.index_cast %scan3A_103 : i32 to index
      %swap3A_139 = arith.constant 112 : index
      %swap3A_140 = tpu.vector_load %arg10[%swap3A_138, %swap3A_139] {strides = array<i32>} : memref<104x128xf32, #tpu.memory_space<vmem>>, vector<1x16xf32>,
      %swap3A_141 = vector.shape_cast %swap3A_140 : vector<1x16xf32> to vector<16xf32>
      %swap3A_142 = vector.shape_cast %broadcast_in_dim3A_14 : vector<16xf32> to vector<1x16xf32>
      tpu.vector_store %arg10[%swap3A_138, %swap3A_139], %swap3A_142 {strides = array<i32>} : memref<104x128xf32, #tpu.memory_space<vmem>>, vector<1x16xf32>,
    }
    %scan3A_19 = arith.constant 104 : i32
    %eq3A_20 = arith.constant 15 : i32
    %eq3A_21 = arith.cmpi eq, %arg1, %eq3A_20 : i32
    %jit3A_22 = arith.constant 520 : i32
    %jit3A_23 = arith.constant 632 : i32
    %select_n3A_24 = arith.select %eq3A_21, %jit3A_22, %jit3A_23 : i32
    %mul3A_25 = arith.constant 632 : i32
    %mul3A_26 = arith.muli %arg1, %mul3A_25 : i32
    %jit3A_27 = arith.constant 104 : i32
    %div3A = arith.divsi %select_n3A_24, %jit3A_27 : i32
    %sign3A = arith.constant 0 : i32
    %sign3A_28 = arith.cmpi sgt, %select_n3A_24, %sign3A : i32
    %sign3A_29 = arith.extui %sign3A_28 : i1 to i32
    %sign3A_30 = arith.constant 0 : i32
    %sign3A_31 = arith.cmpi slt, %select_n3A_24, %sign3A_30 : i32
    %sign3A_32 = arith.extui %sign3A_31 : i1 to i32
    %sign3A_33 = arith.subi %sign3A_29, %sign3A_32 : i32
    %sign3A_34 = arith.constant 0 : i32
    %sign3A_35 = arith.cmpi sgt, %jit3A_27, %sign3A_34 : i32
    %sign3A_36 = arith.extui %sign3A_35 : i1 to i32
    %sign3A_37 = arith.constant 0 : i32
    %sign3A_38 = arith.cmpi slt, %jit3A_27, %sign3A_37 : i32
    %sign3A_39 = arith.extui %sign3A_38 : i1 to i32
    %sign3A_40 = arith.subi %sign3A_36, %sign3A_39 : i32
    %ne3A = arith.cmpi ne, %sign3A_33, %sign3A_40 : i32
    %rem3A = arith.remsi %select_n3A_24, %jit3A_27 : i32
    %ne3A_41 = arith.constant 0 : i32
    %ne3A_42 = arith.cmpi ne, %rem3A, %ne3A_41 : i32
    %and3A = arith.andi %ne3A, %ne3A_42 : i1
    %sub3A = arith.constant 1 : i32
    %sub3A_43 = arith.subi %div3A, %sub3A : i32
    %select_n3A_44 = arith.select %and3A, %sub3A_43, %div3A : i32
    %while3A = arith.constant 0 : i32
    %while3A_45 = arith.constant 0 : i32
    %while3A_46 = arith.subi %select_n3A_44, %while3A_45 : i32
    %while3A_47 = arith.addi %while3A_45, %while3A_46 : i32
    %while3A_48 = arith.constant 1 : i32
    %while3A_49 = arith.divsi %while3A_46, %while3A_48 : i32
    %while3A_50 = arith.muli %while3A_49, %while3A_48 : i32
    %while3A_51 = arith.addi %while3A_45, %while3A_50 : i32
    %while3A_52 = arith.constant 1 : i32
    scf.for %while3A_103 = %while3A_45 to %while3A_51 step %while3A_52  : i32 {
      %mul3A_104 = arith.constant 104 : i32
      %mul3A_105 = arith.muli %while3A_103, %mul3A_104 : i32
      %add3A_106 = arith.addi %mul3A_26, %mul3A_105 : i32
      "tpu.region"() ({
        %run_scoped3A_107 = tpu.sem_alloc : memref<!tpu.dma_semaphore, #tpu.memory_space<semaphore_mem>>
        %dma_start3A_108 = arith.constant 0 : i32
        %dma_start3A_109 = tpu.memref_slice %arg5[%add3A_106, %dma_start3A_108] : memref<10000x128xf32, #tpu.memory_space<vmem_shared>> -> memref<104x128xf32, #tpu.memory_space<vmem_shared>>
        %dma_start3A_110 = arith.constant 0 : i32
        %dma_start3A_111 = tpu.memref_slice %arg5[%add3A_106, %dma_start3A_110] : memref<10000x128xf32, #tpu.memory_space<vmem_shared>> -> memref<104x128xf32, #tpu.memory_space<vmem_shared>>
        tpu.enqueue_dma source(%arg10 : memref<104x128xf32, #tpu.memory_space<vmem>>) target(%dma_start3A_111 : memref<104x128xf32, #tpu.memory_space<vmem_shared>>) target_semaphore(%run_scoped3A_107 : memref<!tpu.dma_semaphore, #tpu.memory_space<semaphore_mem>>)
        %dma_wait3A_112 = arith.constant 0 : i32
        %dma_wait3A_113 = tpu.memref_slice %arg5[%add3A_106, %dma_wait3A_112] : memref<10000x128xf32, #tpu.memory_space<vmem_shared>> -> memref<104x128xf32, #tpu.memory_space<vmem_shared>>
        %dma_wait3A_114 = arith.constant 0 : i32
        %dma_wait3A_115 = tpu.memref_slice %arg5[%add3A_106, %dma_wait3A_114] : memref<10000x128xf32, #tpu.memory_space<vmem_shared>> -> memref<104x128xf32, #tpu.memory_space<vmem_shared>>
        tpu.wait_dma2 semaphore(%run_scoped3A_107 : memref<!tpu.dma_semaphore, #tpu.memory_space<semaphore_mem>>) src(%arg10 : memref<104x128xf32, #tpu.memory_space<vmem>>) dst(%dma_wait3A_115 : memref<104x128xf32, #tpu.memory_space<vmem_shared>>)
        tpu.yield
      }) : () -> ()
    }
    %while3A_53 = arith.constant 1 : i32
    scf.for %while3A_103 = %while3A_51 to %while3A_47 step %while3A_53  : i32 {
      %mul3A_104 = arith.constant 104 : i32
      %mul3A_105 = arith.muli %while3A_103, %mul3A_104 : i32
      %add3A_106 = arith.addi %mul3A_26, %mul3A_105 : i32
      "tpu.region"() ({
        %run_scoped3A_107 = tpu.sem_alloc : memref<!tpu.dma_semaphore, #tpu.memory_space<semaphore_mem>>
        %dma_start3A_108 = arith.constant 0 : i32
        %dma_start3A_109 = tpu.memref_slice %arg5[%add3A_106, %dma_start3A_108] : memref<10000x128xf32, #tpu.memory_space<vmem_shared>> -> memref<104x128xf32, #tpu.memory_space<vmem_shared>>
        %dma_start3A_110 = arith.constant 0 : i32
        %dma_start3A_111 = tpu.memref_slice %arg5[%add3A_106, %dma_start3A_110] : memref<10000x128xf32, #tpu.memory_space<vmem_shared>> -> memref<104x128xf32, #tpu.memory_space<vmem_shared>>
        tpu.enqueue_dma source(%arg10 : memref<104x128xf32, #tpu.memory_space<vmem>>) target(%dma_start3A_111 : memref<104x128xf32, #tpu.memory_space<vmem_shared>>) target_semaphore(%run_scoped3A_107 : memref<!tpu.dma_semaphore, #tpu.memory_space<semaphore_mem>>)
        %dma_wait3A_112 = arith.constant 0 : i32
        %dma_wait3A_113 = tpu.memref_slice %arg5[%add3A_106, %dma_wait3A_112] : memref<10000x128xf32, #tpu.memory_space<vmem_shared>> -> memref<104x128xf32, #tpu.memory_space<vmem_shared>>
        %dma_wait3A_114 = arith.constant 0 : i32
        %dma_wait3A_115 = tpu.memref_slice %arg5[%add3A_106, %dma_wait3A_114] : memref<10000x128xf32, #tpu.memory_space<vmem_shared>> -> memref<104x128xf32, #tpu.memory_space<vmem_shared>>
        tpu.wait_dma2 semaphore(%run_scoped3A_107 : memref<!tpu.dma_semaphore, #tpu.memory_space<semaphore_mem>>) src(%arg10 : memref<104x128xf32, #tpu.memory_space<vmem>>) dst(%dma_wait3A_115 : memref<104x128xf32, #tpu.memory_space<vmem_shared>>)
        tpu.yield
      }) : () -> ()
    }
    %lt3A = arith.constant 15 : i32
    %lt3A_54 = arith.cmpi slt, %arg1, %lt3A : i32
    %convert_element_type3A = arith.extui %lt3A_54 : i1 to i32
    %cond3A = arith.constant 0 : i32
    %cond3A_55 = arith.cmpi ne, %convert_element_type3A, %cond3A : i32
    scf.if %cond3A_55 {
      %add3A_103 = arith.constant 624 : i32
      %add3A_104 = arith.addi %mul3A_26, %add3A_103 : i32
      "tpu.region"() ({
        %run_scoped3A_105 = tpu.sem_alloc : memref<!tpu.dma_semaphore, #tpu.memory_space<semaphore_mem>>
        %dma_start3A_106 = arith.constant 0 : i32
        %dma_start3A_107 = arith.constant 0 : i32
        %dma_start3A_108 = tpu.memref_slice %arg10[%dma_start3A_106, %dma_start3A_107] : memref<104x128xf32, #tpu.memory_space<vmem>> -> memref<8x128xf32, #tpu.memory_space<vmem>>
        %dma_start3A_109 = arith.constant 0 : i32
        %dma_start3A_110 = tpu.memref_slice %arg5[%add3A_104, %dma_start3A_109] : memref<10000x128xf32, #tpu.memory_space<vmem_shared>> -> memref<8x128xf32, #tpu.memory_space<vmem_shared>>
        %dma_start3A_111 = arith.constant 0 : i32
        %dma_start3A_112 = tpu.memref_slice %arg5[%add3A_104, %dma_start3A_111] : memref<10000x128xf32, #tpu.memory_space<vmem_shared>> -> memref<8x128xf32, #tpu.memory_space<vmem_shared>>
        %dma_start3A_113 = arith.constant 0 : i32
        %dma_start3A_114 = arith.constant 0 : i32
        %dma_start3A_115 = tpu.memref_slice %arg10[%dma_start3A_113, %dma_start3A_114] : memref<104x128xf32, #tpu.memory_space<vmem>> -> memref<8x128xf32, #tpu.memory_space<vmem>>
        tpu.enqueue_dma source(%dma_start3A_115 : memref<8x128xf32, #tpu.memory_space<vmem>>) target(%dma_start3A_112 : memref<8x128xf32, #tpu.memory_space<vmem_shared>>) target_semaphore(%run_scoped3A_105 : memref<!tpu.dma_semaphore, #tpu.memory_space<semaphore_mem>>)
        %dma_wait3A_116 = arith.constant 0 : i32
        %dma_wait3A_117 = arith.constant 0 : i32
        %dma_wait3A_118 = tpu.memref_slice %arg10[%dma_wait3A_116, %dma_wait3A_117] : memref<104x128xf32, #tpu.memory_space<vmem>> -> memref<8x128xf32, #tpu.memory_space<vmem>>
        %dma_wait3A_119 = arith.constant 0 : i32
        %dma_wait3A_120 = tpu.memref_slice %arg5[%add3A_104, %dma_wait3A_119] : memref<10000x128xf32, #tpu.memory_space<vmem_shared>> -> memref<8x128xf32, #tpu.memory_space<vmem_shared>>
        %dma_wait3A_121 = arith.constant 0 : i32
        %dma_wait3A_122 = tpu.memref_slice %arg5[%add3A_104, %dma_wait3A_121] : memref<10000x128xf32, #tpu.memory_space<vmem_shared>> -> memref<8x128xf32, #tpu.memory_space<vmem_shared>>
        %dma_wait3A_123 = arith.constant 0 : i32
        %dma_wait3A_124 = arith.constant 0 : i32
        %dma_wait3A_125 = tpu.memref_slice %arg10[%dma_wait3A_123, %dma_wait3A_124] : memref<104x128xf32, #tpu.memory_space<vmem>> -> memref<8x128xf32, #tpu.memory_space<vmem>>
        tpu.wait_dma2 semaphore(%run_scoped3A_105 : memref<!tpu.dma_semaphore, #tpu.memory_space<semaphore_mem>>) src(%dma_wait3A_125 : memref<8x128xf32, #tpu.memory_space<vmem>>) dst(%dma_wait3A_122 : memref<8x128xf32, #tpu.memory_space<vmem_shared>>)
        tpu.yield
      }) : () -> ()
    } else {
    }
    %barrier3A = arith.constant 0 : index
    tpu.barrier barrier_id(%barrier3A)
    %jit3A_56 = arith.constant 2 : i32
    %div3A_57 = arith.divsi %select_n3A, %jit3A_56 : i32
    %sign3A_58 = arith.constant 0 : i32
    %sign3A_59 = arith.cmpi sgt, %select_n3A, %sign3A_58 : i32
    %sign3A_60 = arith.extui %sign3A_59 : i1 to i32
    %sign3A_61 = arith.constant 0 : i32
    %sign3A_62 = arith.cmpi slt, %select_n3A, %sign3A_61 : i32
    %sign3A_63 = arith.extui %sign3A_62 : i1 to i32
    %sign3A_64 = arith.subi %sign3A_60, %sign3A_63 : i32
    %sign3A_65 = arith.constant 0 : i32
    %sign3A_66 = arith.cmpi sgt, %jit3A_56, %sign3A_65 : i32
    %sign3A_67 = arith.extui %sign3A_66 : i1 to i32
    %sign3A_68 = arith.constant 0 : i32
    %sign3A_69 = arith.cmpi slt, %jit3A_56, %sign3A_68 : i32
    %sign3A_70 = arith.extui %sign3A_69 : i1 to i32
    %sign3A_71 = arith.subi %sign3A_67, %sign3A_70 : i32
    %ne3A_72 = arith.cmpi ne, %sign3A_64, %sign3A_71 : i32
    %rem3A_73 = arith.remsi %select_n3A, %jit3A_56 : i32
    %ne3A_74 = arith.constant 0 : i32
    %ne3A_75 = arith.cmpi ne, %rem3A_73, %ne3A_74 : i32
    %and3A_76 = arith.andi %ne3A_72, %ne3A_75 : i1
    %sub3A_77 = arith.constant 1 : i32
    %sub3A_78 = arith.subi %div3A_57, %sub3A_77 : i32
    %select_n3A_79 = arith.select %and3A_76, %sub3A_78, %div3A_57 : i32
    %while3A_80 = arith.constant 0 : i32
    %while3A_81 = arith.constant 0 : i32
    %while3A_82 = arith.subi %select_n3A_79, %while3A_81 : i32
    %while3A_83 = arith.addi %while3A_81, %while3A_82 : i32
    %while3A_84 = arith.constant 1 : i32
    %while3A_85 = arith.divsi %while3A_82, %while3A_84 : i32
    %while3A_86 = arith.muli %while3A_85, %while3A_84 : i32
    %while3A_87 = arith.addi %while3A_81, %while3A_86 : i32
    %while3A_88 = arith.constant 1 : i32
    scf.for %while3A_103 = %while3A_81 to %while3A_87 step %while3A_88  : i32 {
      %mul3A_104 = arith.constant 2 : i32
      %mul3A_105 = arith.muli %mul3A_104, %while3A_103 : i32
      %add3A_106 = arith.constant 1 : i32
      %add3A_107 = arith.addi %mul3A_105, %add3A_106 : i32
      %mul3A_108 = arith.constant 128 : i32
      %mul3A_109 = arith.muli %add3A_107, %mul3A_108 : i32
      %add3A_110 = arith.addi %add3A, %mul3A_109 : i32
      %dma_start3A_111 = arith.constant 0 : i32
      %dma_start3A_112 = tpu.memref_slice %arg2[%dma_start3A_111, %add3A_110] : memref<2x320000xi32, #tpu.memory_space<hbm>> -> memref<1x128xi32, #tpu.memory_space<hbm>>
      %dma_start3A_113 = arith.constant 0 : i32
      %dma_start3A_114 = tpu.memref_slice %arg2[%dma_start3A_113, %add3A_110] : memref<2x320000xi32, #tpu.memory_space<hbm>> -> memref<1x128xi32, #tpu.memory_space<hbm>>
      tpu.enqueue_dma source(%dma_start3A_114 : memref<1x128xi32, #tpu.memory_space<hbm>>) target(%arg7 : memref<1x128xi32, #tpu.memory_space<vmem>>) target_semaphore(%arg12 : memref<!tpu.dma_semaphore, #tpu.memory_space<semaphore_mem>>)
      %dma_start3A_115 = arith.constant 0 : i32
      %dma_start3A_116 = tpu.memref_slice %arg3[%add3A_110, %dma_start3A_115] : memref<320000x128xf32, #tpu.memory_space<hbm>> -> memref<128x128xf32, #tpu.memory_space<hbm>>
      %dma_start3A_117 = arith.constant 0 : i32
      %dma_start3A_118 = tpu.memref_slice %arg3[%add3A_110, %dma_start3A_117] : memref<320000x128xf32, #tpu.memory_space<hbm>> -> memref<128x128xf32, #tpu.memory_space<hbm>>
      tpu.enqueue_dma source(%dma_start3A_118 : memref<128x128xf32, #tpu.memory_space<hbm>>) target(%arg9 : memref<128x128xf32, #tpu.memory_space<vmem>>) target_semaphore(%arg12 : memref<!tpu.dma_semaphore, #tpu.memory_space<semaphore_mem>>)
      %mul3A_119 = arith.constant 128 : i32
      %mul3A_120 = arith.muli %mul3A_105, %mul3A_119 : i32
      %add3A_121 = arith.addi %add3A, %mul3A_120 : i32
      %dma_wait3A_122 = arith.constant 0 : i32
      %dma_wait3A_123 = tpu.memref_slice %arg2[%dma_wait3A_122, %add3A_121] : memref<2x320000xi32, #tpu.memory_space<hbm>> -> memref<1x128xi32, #tpu.memory_space<hbm>>
      %dma_wait3A_124 = arith.constant 0 : i32
      %dma_wait3A_125 = tpu.memref_slice %arg2[%dma_wait3A_124, %add3A_121] : memref<2x320000xi32, #tpu.memory_space<hbm>> -> memref<1x128xi32, #tpu.memory_space<hbm>>
      tpu.wait_dma2 semaphore(%arg11 : memref<!tpu.dma_semaphore, #tpu.memory_space<semaphore_mem>>) src(%dma_wait3A_125 : memref<1x128xi32, #tpu.memory_space<hbm>>) dst(%arg6 : memref<1x128xi32, #tpu.memory_space<vmem>>)
      %dma_wait3A_126 = arith.constant 0 : i32
      %dma_wait3A_127 = tpu.memref_slice %arg3[%add3A_121, %dma_wait3A_126] : memref<320000x128xf32, #tpu.memory_space<hbm>> -> memref<128x128xf32, #tpu.memory_space<hbm>>
      %dma_wait3A_128 = arith.constant 0 : i32
      %dma_wait3A_129 = tpu.memref_slice %arg3[%add3A_121, %dma_wait3A_128] : memref<320000x128xf32, #tpu.memory_space<hbm>> -> memref<128x128xf32, #tpu.memory_space<hbm>>
      tpu.wait_dma2 semaphore(%arg11 : memref<!tpu.dma_semaphore, #tpu.memory_space<semaphore_mem>>) src(%dma_wait3A_129 : memref<128x128xf32, #tpu.memory_space<hbm>>) dst(%arg8 : memref<128x128xf32, #tpu.memory_space<vmem>>)
      %run_scoped3A_130 = arith.constant 0 : i32
      "tpu.region"() ({
        %run_scoped3A_158 = tpu.sem_alloc : memref<!tpu.dma_semaphore, #tpu.memory_space<semaphore_mem>>
        %dma_start3A_159 = arith.constant 0 : i32
        %dma_start3A_160 = tpu.memref_slice %arg6[%run_scoped3A_130, %dma_start3A_159] : memref<1x128xi32, #tpu.memory_space<vmem>> -> memref<1x128xi32, #tpu.memory_space<vmem>>
        %dma_start3A_161 = tpu.memref_squeeze %dma_start3A_160 : memref<1x128xi32, #tpu.memory_space<vmem>> -> memref<128xi32, #tpu.memory_space<vmem>>
        %dma_start3A_162 = arith.constant 0 : i32
        %dma_start3A_163 = arith.constant 0 : i32
        %dma_start3A_164 = tpu.memref_slice %arg5[%dma_start3A_162, %dma_start3A_163] : memref<10000x128xf32, #tpu.memory_space<vmem_shared>> -> memref<10000x128xf32, #tpu.memory_space<vmem_shared>>
        tpu.enqueue_indirect_dma source(%arg8 : memref<128x128xf32, #tpu.memory_space<vmem>>) target(%dma_start3A_164 : memref<10000x128xf32, #tpu.memory_space<vmem_shared>>) offsets(%dma_start3A_161 : memref<128xi32, #tpu.memory_space<vmem>>) semaphore(%run_scoped3A_158 : memref<!tpu.dma_semaphore, #tpu.memory_space<semaphore_mem>>) {add = true}
        %dma_wait3A_165 = arith.constant 0 : i32
        %dma_wait3A_166 = tpu.memref_slice %arg6[%run_scoped3A_130, %dma_wait3A_165] : memref<1x128xi32, #tpu.memory_space<vmem>> -> memref<1x128xi32, #tpu.memory_space<vmem>>
        %dma_wait3A_167 = tpu.memref_squeeze %dma_wait3A_166 : memref<1x128xi32, #tpu.memory_space<vmem>> -> memref<128xi32, #tpu.memory_space<vmem>>
        %dma_wait3A_168 = arith.constant 0 : i32
        %dma_wait3A_169 = arith.constant 0 : i32
        %dma_wait3A_170 = tpu.memref_slice %arg5[%dma_wait3A_168, %dma_wait3A_169] : memref<10000x128xf32, #tpu.memory_space<vmem_shared>> -> memref<10000x128xf32, #tpu.memory_space<vmem_shared>>
        tpu.wait_indirect_dma semaphore(%run_scoped3A_158 : memref<!tpu.dma_semaphore, #tpu.memory_space<semaphore_mem>>) src(%arg8 : memref<128x128xf32, #tpu.memory_space<vmem>>) dst(%dma_wait3A_170 : memref<10000x128xf32, #tpu.memory_space<vmem_shared>>)
        tpu.yield
      }) : () -> ()
      %add3A_131 = arith.constant 2 : i32
      %add3A_132 = arith.addi %mul3A_105, %add3A_131 : i32
      %mul3A_133 = arith.constant 128 : i32
      %mul3A_134 = arith.muli %add3A_132, %mul3A_133 : i32
      %add3A_135 = arith.addi %add3A, %mul3A_134 : i32
      %dma_start3A_136 = arith.constant 0 : i32
      %dma_start3A_137 = tpu.memref_slice %arg2[%dma_start3A_136, %add3A_135] : memref<2x320000xi32, #tpu.memory_space<hbm>> -> memref<1x128xi32, #tpu.memory_space<hbm>>
      %dma_start3A_138 = arith.constant 0 : i32
      %dma_start3A_139 = tpu.memref_slice %arg2[%dma_start3A_138, %add3A_135] : memref<2x320000xi32, #tpu.memory_space<hbm>> -> memref<1x128xi32, #tpu.memory_space<hbm>>
      tpu.enqueue_dma source(%dma_start3A_139 : memref<1x128xi32, #tpu.memory_space<hbm>>) target(%arg6 : memref<1x128xi32, #tpu.memory_space<vmem>>) target_semaphore(%arg11 : memref<!tpu.dma_semaphore, #tpu.memory_space<semaphore_mem>>)
      %dma_start3A_140 = arith.constant 0 : i32
      %dma_start3A_141 = tpu.memref_slice %arg3[%add3A_135, %dma_start3A_140] : memref<320000x128xf32, #tpu.memory_space<hbm>> -> memref<128x128xf32, #tpu.memory_space<hbm>>
      %dma_start3A_142 = arith.constant 0 : i32
      %dma_start3A_143 = tpu.memref_slice %arg3[%add3A_135, %dma_start3A_142] : memref<320000x128xf32, #tpu.memory_space<hbm>> -> memref<128x128xf32, #tpu.memory_space<hbm>>
      tpu.enqueue_dma source(%dma_start3A_143 : memref<128x128xf32, #tpu.memory_space<hbm>>) target(%arg8 : memref<128x128xf32, #tpu.memory_space<vmem>>) target_semaphore(%arg11 : memref<!tpu.dma_semaphore, #tpu.memory_space<semaphore_mem>>)
      %add3A_144 = arith.constant 1 : i32
      %add3A_145 = arith.addi %mul3A_105, %add3A_144 : i32
      %mul3A_146 = arith.constant 128 : i32
      %mul3A_147 = arith.muli %add3A_145, %mul3A_146 : i32
      %add3A_148 = arith.addi %add3A, %mul3A_147 : i32
      %dma_wait3A_149 = arith.constant 0 : i32
      %dma_wait3A_150 = tpu.memref_slice %arg2[%dma_wait3A_149, %add3A_148] : memref<2x320000xi32, #tpu.memory_space<hbm>> -> memref<1x128xi32, #tpu.memory_space<hbm>>
      %dma_wait3A_151 = arith.constant 0 : i32
      %dma_wait3A_152 = tpu.memref_slice %arg2[%dma_wait3A_151, %add3A_148] : memref<2x320000xi32, #tpu.memory_space<hbm>> -> memref<1x128xi32, #tpu.memory_space<hbm>>
      tpu.wait_dma2 semaphore(%arg12 : memref<!tpu.dma_semaphore, #tpu.memory_space<semaphore_mem>>) src(%dma_wait3A_152 : memref<1x128xi32, #tpu.memory_space<hbm>>) dst(%arg7 : memref<1x128xi32, #tpu.memory_space<vmem>>)
      %dma_wait3A_153 = arith.constant 0 : i32
      %dma_wait3A_154 = tpu.memref_slice %arg3[%add3A_148, %dma_wait3A_153] : memref<320000x128xf32, #tpu.memory_space<hbm>> -> memref<128x128xf32, #tpu.memory_space<hbm>>
      %dma_wait3A_155 = arith.constant 0 : i32
      %dma_wait3A_156 = tpu.memref_slice %arg3[%add3A_148, %dma_wait3A_155] : memref<320000x128xf32, #tpu.memory_space<hbm>> -> memref<128x128xf32, #tpu.memory_space<hbm>>
      tpu.wait_dma2 semaphore(%arg12 : memref<!tpu.dma_semaphore, #tpu.memory_space<semaphore_mem>>) src(%dma_wait3A_156 : memref<128x128xf32, #tpu.memory_space<hbm>>) dst(%arg9 : memref<128x128xf32, #tpu.memory_space<vmem>>)
      %run_scoped3A_157 = arith.constant 0 : i32
      "tpu.region"() ({
        %run_scoped3A_158 = tpu.sem_alloc : memref<!tpu.dma_semaphore, #tpu.memory_space<semaphore_mem>>
        %dma_start3A_159 = arith.constant 0 : i32
        %dma_start3A_160 = tpu.memref_slice %arg7[%run_scoped3A_157, %dma_start3A_159] : memref<1x128xi32, #tpu.memory_space<vmem>> -> memref<1x128xi32, #tpu.memory_space<vmem>>
        %dma_start3A_161 = tpu.memref_squeeze %dma_start3A_160 : memref<1x128xi32, #tpu.memory_space<vmem>> -> memref<128xi32, #tpu.memory_space<vmem>>
        %dma_start3A_162 = arith.constant 0 : i32
        %dma_start3A_163 = arith.constant 0 : i32
        %dma_start3A_164 = tpu.memref_slice %arg5[%dma_start3A_162, %dma_start3A_163] : memref<10000x128xf32, #tpu.memory_space<vmem_shared>> -> memref<10000x128xf32, #tpu.memory_space<vmem_shared>>
        tpu.enqueue_indirect_dma source(%arg9 : memref<128x128xf32, #tpu.memory_space<vmem>>) target(%dma_start3A_164 : memref<10000x128xf32, #tpu.memory_space<vmem_shared>>) offsets(%dma_start3A_161 : memref<128xi32, #tpu.memory_space<vmem>>) semaphore(%run_scoped3A_158 : memref<!tpu.dma_semaphore, #tpu.memory_space<semaphore_mem>>) {add = true}
        %dma_wait3A_165 = arith.constant 0 : i32
        %dma_wait3A_166 = tpu.memref_slice %arg7[%run_scoped3A_157, %dma_wait3A_165] : memref<1x128xi32, #tpu.memory_space<vmem>> -> memref<1x128xi32, #tpu.memory_space<vmem>>
        %dma_wait3A_167 = tpu.memref_squeeze %dma_wait3A_166 : memref<1x128xi32, #tpu.memory_space<vmem>> -> memref<128xi32, #tpu.memory_space<vmem>>
        %dma_wait3A_168 = arith.constant 0 : i32
        %dma_wait3A_169 = arith.constant 0 : i32
        %dma_wait3A_170 = tpu.memref_slice %arg5[%dma_wait3A_168, %dma_wait3A_169] : memref<10000x128xf32, #tpu.memory_space<vmem_shared>> -> memref<10000x128xf32, #tpu.memory_space<vmem_shared>>
        tpu.wait_indirect_dma semaphore(%run_scoped3A_158 : memref<!tpu.dma_semaphore, #tpu.memory_space<semaphore_mem>>) src(%arg9 : memref<128x128xf32, #tpu.memory_space<vmem>>) dst(%dma_wait3A_170 : memref<10000x128xf32, #tpu.memory_space<vmem_shared>>)
        tpu.yield
      }) : () -> ()
    }
    %while3A_89 = arith.constant 1 : i32
    scf.for %while3A_103 = %while3A_87 to %while3A_83 step %while3A_89  : i32 {
      %mul3A_104 = arith.constant 2 : i32
      %mul3A_105 = arith.muli %mul3A_104, %while3A_103 : i32
      %add3A_106 = arith.constant 1 : i32
      %add3A_107 = arith.addi %mul3A_105, %add3A_106 : i32
      %mul3A_108 = arith.constant 128 : i32
      %mul3A_109 = arith.muli %add3A_107, %mul3A_108 : i32
      %add3A_110 = arith.addi %add3A, %mul3A_109 : i32
      %dma_start3A_111 = arith.constant 0 : i32
      %dma_start3A_112 = tpu.memref_slice %arg2[%dma_start3A_111, %add3A_110] : memref<2x320000xi32, #tpu.memory_space<hbm>> -> memref<1x128xi32, #tpu.memory_space<hbm>>
      %dma_start3A_113 = arith.constant 0 : i32
      %dma_start3A_114 = tpu.memref_slice %arg2[%dma_start3A_113, %add3A_110] : memref<2x320000xi32, #tpu.memory_space<hbm>> -> memref<1x128xi32, #tpu.memory_space<hbm>>
      tpu.enqueue_dma source(%dma_start3A_114 : memref<1x128xi32, #tpu.memory_space<hbm>>) target(%arg7 : memref<1x128xi32, #tpu.memory_space<vmem>>) target_semaphore(%arg12 : memref<!tpu.dma_semaphore, #tpu.memory_space<semaphore_mem>>)
      %dma_start3A_115 = arith.constant 0 : i32
      %dma_start3A_116 = tpu.memref_slice %arg3[%add3A_110, %dma_start3A_115] : memref<320000x128xf32, #tpu.memory_space<hbm>> -> memref<128x128xf32, #tpu.memory_space<hbm>>
      %dma_start3A_117 = arith.constant 0 : i32
      %dma_start3A_118 = tpu.memref_slice %arg3[%add3A_110, %dma_start3A_117] : memref<320000x128xf32, #tpu.memory_space<hbm>> -> memref<128x128xf32, #tpu.memory_space<hbm>>
      tpu.enqueue_dma source(%dma_start3A_118 : memref<128x128xf32, #tpu.memory_space<hbm>>) target(%arg9 : memref<128x128xf32, #tpu.memory_space<vmem>>) target_semaphore(%arg12 : memref<!tpu.dma_semaphore, #tpu.memory_space<semaphore_mem>>)
      %mul3A_119 = arith.constant 128 : i32
      %mul3A_120 = arith.muli %mul3A_105, %mul3A_119 : i32
      %add3A_121 = arith.addi %add3A, %mul3A_120 : i32
      %dma_wait3A_122 = arith.constant 0 : i32
      %dma_wait3A_123 = tpu.memref_slice %arg2[%dma_wait3A_122, %add3A_121] : memref<2x320000xi32, #tpu.memory_space<hbm>> -> memref<1x128xi32, #tpu.memory_space<hbm>>
      %dma_wait3A_124 = arith.constant 0 : i32
      %dma_wait3A_125 = tpu.memref_slice %arg2[%dma_wait3A_124, %add3A_121] : memref<2x320000xi32, #tpu.memory_space<hbm>> -> memref<1x128xi32, #tpu.memory_space<hbm>>
      tpu.wait_dma2 semaphore(%arg11 : memref<!tpu.dma_semaphore, #tpu.memory_space<semaphore_mem>>) src(%dma_wait3A_125 : memref<1x128xi32, #tpu.memory_space<hbm>>) dst(%arg6 : memref<1x128xi32, #tpu.memory_space<vmem>>)
      %dma_wait3A_126 = arith.constant 0 : i32
      %dma_wait3A_127 = tpu.memref_slice %arg3[%add3A_121, %dma_wait3A_126] : memref<320000x128xf32, #tpu.memory_space<hbm>> -> memref<128x128xf32, #tpu.memory_space<hbm>>
      %dma_wait3A_128 = arith.constant 0 : i32
      %dma_wait3A_129 = tpu.memref_slice %arg3[%add3A_121, %dma_wait3A_128] : memref<320000x128xf32, #tpu.memory_space<hbm>> -> memref<128x128xf32, #tpu.memory_space<hbm>>
      tpu.wait_dma2 semaphore(%arg11 : memref<!tpu.dma_semaphore, #tpu.memory_space<semaphore_mem>>) src(%dma_wait3A_129 : memref<128x128xf32, #tpu.memory_space<hbm>>) dst(%arg8 : memref<128x128xf32, #tpu.memory_space<vmem>>)
      %run_scoped3A_130 = arith.constant 0 : i32
      "tpu.region"() ({
        %run_scoped3A_158 = tpu.sem_alloc : memref<!tpu.dma_semaphore, #tpu.memory_space<semaphore_mem>>
        %dma_start3A_159 = arith.constant 0 : i32
        %dma_start3A_160 = tpu.memref_slice %arg6[%run_scoped3A_130, %dma_start3A_159] : memref<1x128xi32, #tpu.memory_space<vmem>> -> memref<1x128xi32, #tpu.memory_space<vmem>>
        %dma_start3A_161 = tpu.memref_squeeze %dma_start3A_160 : memref<1x128xi32, #tpu.memory_space<vmem>> -> memref<128xi32, #tpu.memory_space<vmem>>
        %dma_start3A_162 = arith.constant 0 : i32
        %dma_start3A_163 = arith.constant 0 : i32
        %dma_start3A_164 = tpu.memref_slice %arg5[%dma_start3A_162, %dma_start3A_163] : memref<10000x128xf32, #tpu.memory_space<vmem_shared>> -> memref<10000x128xf32, #tpu.memory_space<vmem_shared>>
        tpu.enqueue_indirect_dma source(%arg8 : memref<128x128xf32, #tpu.memory_space<vmem>>) target(%dma_start3A_164 : memref<10000x128xf32, #tpu.memory_space<vmem_shared>>) offsets(%dma_start3A_161 : memref<128xi32, #tpu.memory_space<vmem>>) semaphore(%run_scoped3A_158 : memref<!tpu.dma_semaphore, #tpu.memory_space<semaphore_mem>>) {add = true}
        %dma_wait3A_165 = arith.constant 0 : i32
        %dma_wait3A_166 = tpu.memref_slice %arg6[%run_scoped3A_130, %dma_wait3A_165] : memref<1x128xi32, #tpu.memory_space<vmem>> -> memref<1x128xi32, #tpu.memory_space<vmem>>
        %dma_wait3A_167 = tpu.memref_squeeze %dma_wait3A_166 : memref<1x128xi32, #tpu.memory_space<vmem>> -> memref<128xi32, #tpu.memory_space<vmem>>
        %dma_wait3A_168 = arith.constant 0 : i32
        %dma_wait3A_169 = arith.constant 0 : i32
        %dma_wait3A_170 = tpu.memref_slice %arg5[%dma_wait3A_168, %dma_wait3A_169] : memref<10000x128xf32, #tpu.memory_space<vmem_shared>> -> memref<10000x128xf32, #tpu.memory_space<vmem_shared>>
        tpu.wait_indirect_dma semaphore(%run_scoped3A_158 : memref<!tpu.dma_semaphore, #tpu.memory_space<semaphore_mem>>) src(%arg8 : memref<128x128xf32, #tpu.memory_space<vmem>>) dst(%dma_wait3A_170 : memref<10000x128xf32, #tpu.memory_space<vmem_shared>>)
        tpu.yield
      }) : () -> ()
      %add3A_131 = arith.constant 2 : i32
      %add3A_132 = arith.addi %mul3A_105, %add3A_131 : i32
      %mul3A_133 = arith.constant 128 : i32
      %mul3A_134 = arith.muli %add3A_132, %mul3A_133 : i32
      %add3A_135 = arith.addi %add3A, %mul3A_134 : i32
      %dma_start3A_136 = arith.constant 0 : i32
      %dma_start3A_137 = tpu.memref_slice %arg2[%dma_start3A_136, %add3A_135] : memref<2x320000xi32, #tpu.memory_space<hbm>> -> memref<1x128xi32, #tpu.memory_space<hbm>>
      %dma_start3A_138 = arith.constant 0 : i32
      %dma_start3A_139 = tpu.memref_slice %arg2[%dma_start3A_138, %add3A_135] : memref<2x320000xi32, #tpu.memory_space<hbm>> -> memref<1x128xi32, #tpu.memory_space<hbm>>
      tpu.enqueue_dma source(%dma_start3A_139 : memref<1x128xi32, #tpu.memory_space<hbm>>) target(%arg6 : memref<1x128xi32, #tpu.memory_space<vmem>>) target_semaphore(%arg11 : memref<!tpu.dma_semaphore, #tpu.memory_space<semaphore_mem>>)
      %dma_start3A_140 = arith.constant 0 : i32
      %dma_start3A_141 = tpu.memref_slice %arg3[%add3A_135, %dma_start3A_140] : memref<320000x128xf32, #tpu.memory_space<hbm>> -> memref<128x128xf32, #tpu.memory_space<hbm>>
      %dma_start3A_142 = arith.constant 0 : i32
      %dma_start3A_143 = tpu.memref_slice %arg3[%add3A_135, %dma_start3A_142] : memref<320000x128xf32, #tpu.memory_space<hbm>> -> memref<128x128xf32, #tpu.memory_space<hbm>>
      tpu.enqueue_dma source(%dma_start3A_143 : memref<128x128xf32, #tpu.memory_space<hbm>>) target(%arg8 : memref<128x128xf32, #tpu.memory_space<vmem>>) target_semaphore(%arg11 : memref<!tpu.dma_semaphore, #tpu.memory_space<semaphore_mem>>)
      %add3A_144 = arith.constant 1 : i32
      %add3A_145 = arith.addi %mul3A_105, %add3A_144 : i32
      %mul3A_146 = arith.constant 128 : i32
      %mul3A_147 = arith.muli %add3A_145, %mul3A_146 : i32
      %add3A_148 = arith.addi %add3A, %mul3A_147 : i32
      %dma_wait3A_149 = arith.constant 0 : i32
      %dma_wait3A_150 = tpu.memref_slice %arg2[%dma_wait3A_149, %add3A_148] : memref<2x320000xi32, #tpu.memory_space<hbm>> -> memref<1x128xi32, #tpu.memory_space<hbm>>
      %dma_wait3A_151 = arith.constant 0 : i32
      %dma_wait3A_152 = tpu.memref_slice %arg2[%dma_wait3A_151, %add3A_148] : memref<2x320000xi32, #tpu.memory_space<hbm>> -> memref<1x128xi32, #tpu.memory_space<hbm>>
      tpu.wait_dma2 semaphore(%arg12 : memref<!tpu.dma_semaphore, #tpu.memory_space<semaphore_mem>>) src(%dma_wait3A_152 : memref<1x128xi32, #tpu.memory_space<hbm>>) dst(%arg7 : memref<1x128xi32, #tpu.memory_space<vmem>>)
      %dma_wait3A_153 = arith.constant 0 : i32
      %dma_wait3A_154 = tpu.memref_slice %arg3[%add3A_148, %dma_wait3A_153] : memref<320000x128xf32, #tpu.memory_space<hbm>> -> memref<128x128xf32, #tpu.memory_space<hbm>>
      %dma_wait3A_155 = arith.constant 0 : i32
      %dma_wait3A_156 = tpu.memref_slice %arg3[%add3A_148, %dma_wait3A_155] : memref<320000x128xf32, #tpu.memory_space<hbm>> -> memref<128x128xf32, #tpu.memory_space<hbm>>
      tpu.wait_dma2 semaphore(%arg12 : memref<!tpu.dma_semaphore, #tpu.memory_space<semaphore_mem>>) src(%dma_wait3A_156 : memref<128x128xf32, #tpu.memory_space<hbm>>) dst(%arg9 : memref<128x128xf32, #tpu.memory_space<vmem>>)
      %run_scoped3A_157 = arith.constant 0 : i32
      "tpu.region"() ({
        %run_scoped3A_158 = tpu.sem_alloc : memref<!tpu.dma_semaphore, #tpu.memory_space<semaphore_mem>>
        %dma_start3A_159 = arith.constant 0 : i32
        %dma_start3A_160 = tpu.memref_slice %arg7[%run_scoped3A_157, %dma_start3A_159] : memref<1x128xi32, #tpu.memory_space<vmem>> -> memref<1x128xi32, #tpu.memory_space<vmem>>
        %dma_start3A_161 = tpu.memref_squeeze %dma_start3A_160 : memref<1x128xi32, #tpu.memory_space<vmem>> -> memref<128xi32, #tpu.memory_space<vmem>>
        %dma_start3A_162 = arith.constant 0 : i32
        %dma_start3A_163 = arith.constant 0 : i32
        %dma_start3A_164 = tpu.memref_slice %arg5[%dma_start3A_162, %dma_start3A_163] : memref<10000x128xf32, #tpu.memory_space<vmem_shared>> -> memref<10000x128xf32, #tpu.memory_space<vmem_shared>>
        tpu.enqueue_indirect_dma source(%arg9 : memref<128x128xf32, #tpu.memory_space<vmem>>) target(%dma_start3A_164 : memref<10000x128xf32, #tpu.memory_space<vmem_shared>>) offsets(%dma_start3A_161 : memref<128xi32, #tpu.memory_space<vmem>>) semaphore(%run_scoped3A_158 : memref<!tpu.dma_semaphore, #tpu.memory_space<semaphore_mem>>) {add = true}
        %dma_wait3A_165 = arith.constant 0 : i32
        %dma_wait3A_166 = tpu.memref_slice %arg7[%run_scoped3A_157, %dma_wait3A_165] : memref<1x128xi32, #tpu.memory_space<vmem>> -> memref<1x128xi32, #tpu.memory_space<vmem>>
        %dma_wait3A_167 = tpu.memref_squeeze %dma_wait3A_166 : memref<1x128xi32, #tpu.memory_space<vmem>> -> memref<128xi32, #tpu.memory_space<vmem>>
        %dma_wait3A_168 = arith.constant 0 : i32
        %dma_wait3A_169 = arith.constant 0 : i32
        %dma_wait3A_170 = tpu.memref_slice %arg5[%dma_wait3A_168, %dma_wait3A_169] : memref<10000x128xf32, #tpu.memory_space<vmem_shared>> -> memref<10000x128xf32, #tpu.memory_space<vmem_shared>>
        tpu.wait_indirect_dma semaphore(%run_scoped3A_158 : memref<!tpu.dma_semaphore, #tpu.memory_space<semaphore_mem>>) src(%arg9 : memref<128x128xf32, #tpu.memory_space<vmem>>) dst(%dma_wait3A_170 : memref<10000x128xf32, #tpu.memory_space<vmem_shared>>)
        tpu.yield
      }) : () -> ()
    }
    %mul3A_90 = arith.constant 2 : i32
    %mul3A_91 = arith.muli %mul3A_90, %select_n3A_79 : i32
    %mul3A_92 = arith.constant 128 : i32
    %mul3A_93 = arith.muli %mul3A_91, %mul3A_92 : i32
    %add3A_94 = arith.addi %add3A, %mul3A_93 : i32
    %dma_wait3A = arith.constant 0 : i32
    %dma_wait3A_95 = tpu.memref_slice %arg2[%dma_wait3A, %add3A_94] : memref<2x320000xi32, #tpu.memory_space<hbm>> -> memref<1x128xi32, #tpu.memory_space<hbm>>
    %dma_wait3A_96 = arith.constant 0 : i32
    %dma_wait3A_97 = tpu.memref_slice %arg2[%dma_wait3A_96, %add3A_94] : memref<2x320000xi32, #tpu.memory_space<hbm>> -> memref<1x128xi32, #tpu.memory_space<hbm>>
    tpu.wait_dma2 semaphore(%arg11 : memref<!tpu.dma_semaphore, #tpu.memory_space<semaphore_mem>>) src(%dma_wait3A_97 : memref<1x128xi32, #tpu.memory_space<hbm>>) dst(%arg6 : memref<1x128xi32, #tpu.memory_space<vmem>>)
    %dma_wait3A_98 = arith.constant 0 : i32
    %dma_wait3A_99 = tpu.memref_slice %arg3[%add3A_94, %dma_wait3A_98] : memref<320000x128xf32, #tpu.memory_space<hbm>> -> memref<128x128xf32, #tpu.memory_space<hbm>>
    %dma_wait3A_100 = arith.constant 0 : i32
    %dma_wait3A_101 = tpu.memref_slice %arg3[%add3A_94, %dma_wait3A_100] : memref<320000x128xf32, #tpu.memory_space<hbm>> -> memref<128x128xf32, #tpu.memory_space<hbm>>
    tpu.wait_dma2 semaphore(%arg11 : memref<!tpu.dma_semaphore, #tpu.memory_space<semaphore_mem>>) src(%dma_wait3A_101 : memref<128x128xf32, #tpu.memory_space<hbm>>) dst(%arg8 : memref<128x128xf32, #tpu.memory_space<vmem>>)
    %run_scoped3A = arith.constant 0 : i32
    "tpu.region"() ({
      %run_scoped3A_103 = tpu.sem_alloc : memref<!tpu.dma_semaphore, #tpu.memory_space<semaphore_mem>>
      %dma_start3A_104 = arith.constant 0 : i32
      %dma_start3A_105 = tpu.memref_slice %arg6[%run_scoped3A, %dma_start3A_104] : memref<1x128xi32, #tpu.memory_space<vmem>> -> memref<1x128xi32, #tpu.memory_space<vmem>>
      %dma_start3A_106 = tpu.memref_squeeze %dma_start3A_105 : memref<1x128xi32, #tpu.memory_space<vmem>> -> memref<128xi32, #tpu.memory_space<vmem>>
      %dma_start3A_107 = arith.constant 0 : i32
      %dma_start3A_108 = arith.constant 0 : i32
      %dma_start3A_109 = tpu.memref_slice %arg5[%dma_start3A_107, %dma_start3A_108] : memref<10000x128xf32, #tpu.memory_space<vmem_shared>> -> memref<10000x128xf32, #tpu.memory_space<vmem_shared>>
      tpu.enqueue_indirect_dma source(%arg8 : memref<128x128xf32, #tpu.memory_space<vmem>>) target(%dma_start3A_109 : memref<10000x128xf32, #tpu.memory_space<vmem_shared>>) offsets(%dma_start3A_106 : memref<128xi32, #tpu.memory_space<vmem>>) semaphore(%run_scoped3A_103 : memref<!tpu.dma_semaphore, #tpu.memory_space<semaphore_mem>>) {add = true}
      %dma_wait3A_110 = arith.constant 0 : i32
      %dma_wait3A_111 = tpu.memref_slice %arg6[%run_scoped3A, %dma_wait3A_110] : memref<1x128xi32, #tpu.memory_space<vmem>> -> memref<1x128xi32, #tpu.memory_space<vmem>>
      %dma_wait3A_112 = tpu.memref_squeeze %dma_wait3A_111 : memref<1x128xi32, #tpu.memory_space<vmem>> -> memref<128xi32, #tpu.memory_space<vmem>>
      %dma_wait3A_113 = arith.constant 0 : i32
      %dma_wait3A_114 = arith.constant 0 : i32
      %dma_wait3A_115 = tpu.memref_slice %arg5[%dma_wait3A_113, %dma_wait3A_114] : memref<10000x128xf32, #tpu.memory_space<vmem_shared>> -> memref<10000x128xf32, #tpu.memory_space<vmem_shared>>
      tpu.wait_indirect_dma semaphore(%run_scoped3A_103 : memref<!tpu.dma_semaphore, #tpu.memory_space<semaphore_mem>>) src(%arg8 : memref<128x128xf32, #tpu.memory_space<vmem>>) dst(%dma_wait3A_115 : memref<10000x128xf32, #tpu.memory_space<vmem_shared>>)
      tpu.yield
    }) : () -> ()
    %barrier3A_102 = arith.constant 0 : index
    tpu.barrier barrier_id(%barrier3A_102)
    "tpu.region"() ({
      %run_scoped3A_103 = tpu.sem_alloc : memref<!tpu.dma_semaphore, #tpu.memory_space<semaphore_mem>>
      %dma_start3A_104 = arith.constant 0 : i32
      %dma_start3A_105 = tpu.memref_slice %arg4[%arg0, %mul3A_26, %dma_start3A_104] <%select_n3A_24> : memref<2x10000x128xf32, #tpu.memory_space<hbm>> -> memref<1x?x128xf32, #tpu.memory_space<hbm>>
      %dma_start3A_106 = tpu.memref_squeeze %dma_start3A_105 : memref<1x?x128xf32, #tpu.memory_space<hbm>> -> memref<?x128xf32, #tpu.memory_space<hbm>>
      %dma_start3A_107 = arith.constant 0 : i32
      %dma_start3A_108 = tpu.memref_slice %arg5[%mul3A_26, %dma_start3A_107] <%select_n3A_24> : memref<10000x128xf32, #tpu.memory_space<vmem_shared>> -> memref<?x128xf32, #tpu.memory_space<vmem_shared>>
      tpu.enqueue_dma source(%dma_start3A_108 : memref<?x128xf32, #tpu.memory_space<vmem_shared>>) target(%dma_start3A_106 : memref<?x128xf32, #tpu.memory_space<hbm>>) target_semaphore(%run_scoped3A_103 : memref<!tpu.dma_semaphore, #tpu.memory_space<semaphore_mem>>)
      %dma_wait3A_109 = arith.constant 0 : i32
      %dma_wait3A_110 = tpu.memref_slice %arg4[%arg0, %mul3A_26, %dma_wait3A_109] <%select_n3A_24> : memref<2x10000x128xf32, #tpu.memory_space<hbm>> -> memref<1x?x128xf32, #tpu.memory_space<hbm>>
      %dma_wait3A_111 = tpu.memref_squeeze %dma_wait3A_110 : memref<1x?x128xf32, #tpu.memory_space<hbm>> -> memref<?x128xf32, #tpu.memory_space<hbm>>
      %dma_wait3A_112 = arith.constant 0 : i32
      %dma_wait3A_113 = tpu.memref_slice %arg5[%mul3A_26, %dma_wait3A_112] <%select_n3A_24> : memref<10000x128xf32, #tpu.memory_space<vmem_shared>> -> memref<?x128xf32, #tpu.memory_space<vmem_shared>>
      tpu.wait_dma2 semaphore(%run_scoped3A_103 : memref<!tpu.dma_semaphore, #tpu.memory_space<semaphore_mem>>) src(%dma_wait3A_113 : memref<?x128xf32, #tpu.memory_space<vmem_shared>>) dst(%dma_wait3A_111 : memref<?x128xf32, #tpu.memory_space<hbm>>)
      tpu.yield
    }) : () -> ()
    return
  }
}

module attributes {stable_mosaic.version = 14 : i64} {
  func.func @_combine_body(%arg0: i32, %arg1: memref<2x2000x128xf32, #tpu.memory_space<vmem>>, %arg2: memref<2000x128xf32, #tpu.memory_space<vmem>>) attributes {dimension_semantics = [#tpu.dimension_semantics<arbitrary>], iteration_bounds = array<i64: 5>, scalar_prefetch = 0 : i64, scratch_operands = 0 : i64, tpu.core_type = #tpu.core_type<tc>, window_params = [{transform_indices = @transform_0, window_bounds = array<i64: 2, 2000, 128>}, {transform_indices = @transform_1, window_bounds = array<i64: 2000, 128>}]} {
    %get3A = arith.constant 0 : index
    %get3A_0 = arith.constant 0 : index
    %get3A_1 = arith.constant 0 : index
    %get3A_2 = vector.load %arg1[%get3A, %get3A_0, %get3A_1] : memref<2x2000x128xf32, #tpu.memory_space<vmem>>, vector<1x2000x128xf32>
    %get3A_3 = vector.shape_cast %get3A_2 : vector<1x2000x128xf32> to vector<2000x128xf32>
    %get3A_4 = arith.constant 1 : index
    %get3A_5 = arith.constant 0 : index
    %get3A_6 = arith.constant 0 : index
    %get3A_7 = vector.load %arg1[%get3A_4, %get3A_5, %get3A_6] : memref<2x2000x128xf32, #tpu.memory_space<vmem>>, vector<1x2000x128xf32>
    %get3A_8 = vector.shape_cast %get3A_7 : vector<1x2000x128xf32> to vector<2000x128xf32>
    %add3A = arith.addf %get3A_3, %get3A_8 : vector<2000x128xf32>
    %swap3A = arith.constant 0 : index
    %swap3A_9 = arith.constant 0 : index
    %swap3A_10 = vector.load %arg2[%swap3A, %swap3A_9] : memref<2000x128xf32, #tpu.memory_space<vmem>>, vector<2000x128xf32>
    tpu.vector_store %arg2[%swap3A, %swap3A_9], %add3A {strides = array<i32>} : memref<2000x128xf32, #tpu.memory_space<vmem>>, vector<2000x128xf32>,
    return
  }
  func.func @transform_0(%arg0: i32) -> (i32, i32, i32) {
    %c0_i32 = arith.constant 0 : i32
    %c0_i32_0 = arith.constant 0 : i32
    %c0_i32_1 = arith.constant 0 : i32
    return %c0_i32, %arg0, %c0_i32_0 : i32, i32, i32
  }
  func.func @transform_1(%arg0: i32) -> (i32, i32) {
    %c0_i32 = arith.constant 0 : i32
    %c0_i32_0 = arith.constant 0 : i32
    return %arg0, %c0_i32 : i32, i32
  }
}

</mosaic_0001>

<sc_bundles>
// kernel: kernel.4.cloned.1.call-start
scs
__scs_entry_jumppad:
0x0: {  	(pc) =	sbr.rel $0x88, $3  }
0x1: {  	(tag) =	ssettag $0x0;
	lr =	simm.s32 $0x1  }
0x2: {  	[smem:$0x3F9F] =	sst lr;
	_ =	strace $0xD0000000  }
0x3: {  	_ = 	snop  }
0x4: {  	_ = 	snop  }
0x5: {  	_ = 	snop  }
0x6: {  	_ = 	snop  }
0x7: {  	_ = 	snop  }
__scs_overlays_trampoline_lowered:
0x8: {  	[smem:$0x3FAE] =	sst s0  }
0x9: {  	[smem:$0x3FAF] =	sst s1  }
0xa: {  	[smem:$0x3FB0] =	sst s2  }
0xb: {  	[smem:$0x3FB1] =	sst s3  }
0xc: {  	[smem:$0x3FB2] =	sst s4  }
0xd: {  	[smem:$0x3FB3] =	sst s5  }
0xe: {  	[smem:$0x3FB4] =	sst s6  }
0xf: {  	[smem:$0x3FB5] =	sst s7  }
0x10: {  	[smem:$0x3FB6] =	sst s8  }
0x11: {  	[smem:$0x3FB7] =	sst s9;
	s0 =	simm.s32 @!p0 $0x0  }
0x12: {  	s1 =	sld [smem:$0x3F9D];
	s0 =	simm.s32 @p0 $0x1  }
0x13: {  	[smem:$0x3FB8] =	sst s0;
	s0 =	simm.s32 @!p1 $0x0  }
0x14: {  	s2 =	sld [smem:$0x3F9C];
	s0 =	simm.s32 @p1 $0x1  }
0x15: {  	[smem:$0x3FB9] =	sst s0;
	s0 =	simm.s32 @!p2 $0x0  }
0x16: {  	s3 =	sld [smem:$0x3FDB];
	s0 =	simm.s32 @p2 $0x1  }
0x17: {  	s4 =	simm.s32 $0x1BF5;
	[smem:$0x3FBB] =	sst s0  }
0x18: {  	s0 =	sld [smem:$0x3F9E];
	_ =	swait.ge [sflag:s4], $0x0  }
0x19: {  	s7 =	sld [smem:$0x3F9F]  }
0x1a: {  	s8 =	sadd.s32 $0xFFFFE003, lr  }
0x1b: {  	s9 =	sadd.s32 $0xFFFFFEF7, lr;
	s5 =	simm.s32 $0xFFFFFFFF;
	p2 =	slt.u32 s8, $0xFFFFF086  }
0x1c: {  	p1 =	slt.u32 s9, $0xF7A;
	s5 =	simm.s32 @!p2 $0x0  }
0x1d: {  	s5 =	simm.s32 @p1 $0x1;
	p0 =	seq.s32 s7, s2  }
0x1e: {  	s7 =	smul.u32 @!p0 $0xF7A, s2;
	p2 =	seq.s32 @!p0 s5, $0x0  }
0x1f: {  	s9 =	smul.u32 $0xF7A, s1;
	s8 =	simm.s32 @!p0 $0x1BF5;
	p2 =	por !p2, p0  }
0x20: {  	[sflag:s8] =	ssyncset.s32 @!p0 $0xFFFFF086;
	s6 =	sadd.s32 @!p0 s3, s7;
	s7 =	simm.s32 @!p0 $0x108  }
0x21: {  	s3 =	sadd.s32 s3, s9;
	s6 =	sadd.s32 @!p0 $0x88, s6;
	s7 =	simm.s32 @p2 $0x1082  }
0x22: {  	[simem:s7], [sflag:s8] =	dma.local @!p0 [hbm:s6], $0xF7A  }
0x23: {  	s9 =	sor.u32 $0xD0000000, s2;
	s6 =	simm.s32 $0x108;
	_ =	swait.ge @!p0 [sflag:s8], $0x0  }
0x24: {  	s3 =	sadd.s32 $0x88, s3;
	s6 =	simm.s32 @!p1 $0x1082;
	[sflag:s4] =	ssyncset.s32 $0xFFFFF086  }
0x25: {  	[simem:s6], [sflag:s4] =	dma.local [hbm:s3], $0xF7A  }
0x26: {  	[smem:$0x3F9F] =	sst s1;
	(tag) =	ssettag s2;
	_ =	strace s9  }
0x27: {  	s1 =	sld [smem:$0x3FAF]  }
0x28: {  	s2 =	sld [smem:$0x3FB0]  }
0x29: {  	s4 =	sld [smem:$0x3FB2]  }
0x2a: {  	p0 =	seq.s32 s5, $0x0;
	s5 =	sld [smem:$0x3FB3]  }
0x2b: {  	s6 =	sld [smem:$0x3FB4]  }
0x2c: {  	s7 =	sld [smem:$0x3FB5]  }
0x2d: {  	s3 =	simm.s32 $0x108;
	s8 =	sld [smem:$0x3FB6]  }
0x2e: {  	s3 =	simm.s32 @!p0 $0x1082;
	s9 =	sld [smem:$0x3FB7]  }
0x2f: {  	lr =	sadd.s32 s0, s3;
	s0 =	sld [smem:$0x3FAE]  }
0x30: {  	s3 =	sld [smem:$0x3FB1]  }
0x31: {  	[smem:$0x3FBA] =	sst s10  }
0x32: {  	s10 =	sld [smem:$0x3FB8];
	_ =	sdelay $0x3  }
0x33: {  	p0 =	seq.s32 s10, $0x1;
	s10 =	sld [smem:$0x3FBA];
	_ =	sdelay $0x3  }
0x34: {  	[smem:$0x3FBA] =	sst s10  }
0x35: {  	s10 =	sld [smem:$0x3FB9];
	_ =	sdelay $0x3  }
0x36: {  	p1 =	seq.s32 s10, $0x1;
	s10 =	sld [smem:$0x3FBA];
	_ =	sdelay $0x3  }
0x37: {  	[smem:$0x3FBA] =	sst s10  }
0x38: {  	s10 =	sld [smem:$0x3FBB]  }
0x39: {  	_ = 	snop;
	(pc) =	sbr.ind lr, $3  }
0x3a: {  	_ = 	snop  }
0x3b: {  	_ = 	snop  }
0x3c: {  	p2 =	seq.s32 s10, $0x1;
	s10 =	sld [smem:$0x3FBA]  }
0x3d: {  	_ =	shalt  }
0x3e: {  	_ =	shalt  }
0x3f: {  	_ =	shalt  }
0x40: {  	_ =	shalt  }
0x41: {  	_ =	shalt  }
0x42: {  	_ =	shalt  }
0x43: {  	_ =	shalt  }
0x44: {  	_ =	shalt  }
0x45: {  	_ =	shalt  }
0x46: {  	_ =	shalt  }
0x47: {  	_ =	shalt  }
0x48: {  	_ =	shalt  }
0x49: {  	_ =	shalt  }
0x4a: {  	_ =	shalt  }
0x4b: {  	_ =	shalt  }
0x4c: {  	_ =	shalt  }
0x4d: {  	_ =	shalt  }
0x4e: {  	_ =	shalt  }
0x4f: {  	_ =	shalt  }
0x50: {  	_ =	shalt  }
0x51: {  	_ =	shalt  }
0x52: {  	_ =	shalt  }
0x53: {  	_ =	shalt  }
0x54: {  	_ =	shalt  }
0x55: {  	_ =	shalt  }
0x56: {  	_ =	shalt  }
0x57: {  	_ =	shalt  }
0x58: {  	_ =	shalt  }
0x59: {  	_ =	shalt  }
0x5a: {  	_ =	shalt  }
0x5b: {  	_ =	shalt  }
0x5c: {  	_ =	shalt  }
0x5d: {  	_ =	shalt  }
0x5e: {  	_ =	shalt  }
0x5f: {  	_ =	shalt  }
0x60: {  	_ =	shalt  }
0x61: {  	_ =	shalt  }
0x62: {  	_ =	shalt  }
0x63: {  	_ =	shalt  }
0x64: {  	_ =	shalt  }
0x65: {  	_ =	shalt  }
0x66: {  	_ =	shalt  }
0x67: {  	_ =	shalt  }
0x68: {  	_ =	shalt  }
0x69: {  	_ =	shalt  }
0x6a: {  	_ =	shalt  }
0x6b: {  	_ =	shalt  }
0x6c: {  	_ =	shalt  }
0x6d: {  	_ =	shalt  }
0x6e: {  	_ =	shalt  }
0x6f: {  	_ =	shalt  }
0x70: {  	_ =	shalt  }
0x71: {  	_ =	shalt  }
0x72: {  	_ =	shalt  }
0x73: {  	_ =	shalt  }
0x74: {  	_ =	shalt  }
0x75: {  	_ =	shalt  }
0x76: {  	_ =	shalt  }
0x77: {  	_ =	shalt  }
0x78: {  	_ =	shalt  }
0x79: {  	_ =	shalt  }
0x7a: {  	_ =	shalt  }
0x7b: {  	_ =	shalt  }
0x7c: {  	_ =	shalt  }
0x7d: {  	_ =	shalt  }
0x7e: {  	_ =	shalt  }
0x7f: {  	_ =	shalt  }
0x80: {  	_ =	shalt  }
0x81: {  	_ =	shalt  }
0x82: {  	_ =	shalt  }
0x83: {  	_ =	shalt  }
0x84: {  	_ =	shalt  }
0x85: {  	_ =	shalt  }
0x86: {  	_ =	shalt  }
0x87: {  	_ =	shalt  }
.Lfunc_end0:
.L_simem_size_0:
called_computation_lowered:
.L_overlay_start_0:
0x88: {  	s2 =	sld [smem:$0x3FD9]  }
0x89: {  	s3 =	sld [smem:$0x3FFE];
	_ =	sdelay $0x1  }
0x8a: {  	s1 =	srdreg.scid  }
0x8b: {  	s0 =	sand.u32 $0x1, s1  }
0x8c: {  	s17 =	sshll.u32 s0, $0xA;
	s2 =	sadd.s32 s3, s2  }
0x8d: {  	s2 =	sadd.s32 s2, s17  }
0x8e: {  	[smem:$0x3FC6] =	sst s2  }
0x8f: {  	_ = 	snop  }
0x90: {  	s2 =	sld [smem:$0x3FC9]  }
0x91: {  	s18 =	sld [smem:$0x3FC8];
	(tm) =	ssettm $0x1  }
0x92: {  	s4 =	sld [smem:$0x3FFB];
	_ =	sdelay $0x3  }
0x93: {  	_ =	strace s4  }
0x94: {  	s4 =	sld [smem:$0x3FFC];
	_ =	sdelay $0x3  }
0x95: {  	_ =	strace s4  }
0x96: {  	s4 =	sld [smem:$0x3FFD];
	_ =	sdelay $0x3  }
0x97: {  	_ =	strace s4  }
0x98: {  	_ =	strace $0x8FFFFFFF  }
0x99: {  	s19 =	sld [smem:$0x3FDB];
	_ =	sdelay $0x1  }
0x9a: {  	s5 =	simm.s32 $_scs_section_size  }
0x9b: {  	s6 =	simm.s32 $_size__tile_overlayer_lowered;
	s7 =	simm.s32 $_tile_overlayer_lowered  }
0x9c: {  	s22 =	simm.s32 $0x1BFF;
	s21 =	sshll.u32 s7, $0x1;
	s4 =	sadd.s32 s5, s19  }
0x9d: {  	s8 =	simm.s32 $0x0;
	s20 =	sshll.u32 s6, $0x1;
	s6 =	sadd.s32 s21, s4  }
0x9e: {  	[timem:s8], [sflag:s22] =	dma.local [hbm:s6], s20  }
0x9f: {  	_ =	swait.ge [sflag:s22], s20  }
0xa0: {  	s5 =	ssub.s32 $0x0, s20;
	[sflag:s22] =	ssyncset.done $0x0  }
0xa1: {  	[sflag:s22] =	ssyncadd.s32 s5;
	_ =	sdelay $0x1  }
0xa2: {  	s23 =	simm.s32 $0x1B8B  }
0xa3: {  	_ =	swait.ge [sflag:s23], $0x1  }
0xa4: {  	[sflag:s23] =	ssyncset.done $0x0  }
0xa5: {  	s25 =	simm.s32 $0x1B8E;
	s24 =	sld [smem:$0x3FFE];
	[sflag:s23] =	ssyncadd.s32 $0xFFFFFFFF  }
0xa6: {  	s26 =	simm.s32 $execute0_lowered;
	[smem:$0x3FD2] =	sst s25  }
0xa7: {  	s6 =	sshll.u32 s26, $0x1;
	_ =	strace $0x80000046;
	[dreg:$0x1] =	wrdreg $0xFFFFFFFF  }
0xa8: {  	s28 =	simm.s32 $_size_execute0_lowered;
	s4 =	sadd.s32 s4, s6;
	[dreg:$0x0] =	wrdreg $0x0  }
0xa9: {  	s6 =	sshll.u32 s28, $0x1;
	[dreg:$0x2] =	wrdreg s4  }
0xaa: {  	[dreg:$0x3] =	wrdreg s6  }
0xab: {  	[dreg:$0x4] =	wrdreg $0xC0  }
0xac: {  	_ =	task [dreg:s8], $0x5FFFF  }
0xad: {  	[dreg:$0x1] =	wrdreg $0xFFFFFFFF  }
0xae: {  	[dreg:$0x0] =	wrdreg $0x60  }
0xaf: {  	[dreg:$0x2] =	wrdreg s2  }
0xb0: {  	[dreg:$0x3] =	wrdreg s18  }
0xb1: {  	[dreg:$0x4] =	wrdreg s24  }
0xb2: {  	[dreg:$0x5] =	wrdreg $0x0  }
0xb3: {  	[dreg:$0x6] =	wrdreg $0x9  }
0xb4: {  	_ =	task.clear_ibuf [dreg:s8], $0x7FFFF;
	_ =	strace $0x90000046  }
0xb5: {  	s29 =	simm.s32 $0x9;
	_ =	strace $0x80000048  }
0xb6: {  	_ =	swait.ge [sflag:s29], $0x1  }
0xb7: {  	[sflag:s29] =	ssyncadd.s32 $0xFFFFFFFF  }
0xb8: {  	_ =	strace $0x90000048  }
0xb9: {  	_ =	sfence  }
0xba: {  	s30 =	sld [smem:$0x0];
	_ =	sdelay $0x2  }
0xbb: {  	s31 =	sshll.u32 s1, $0xD;
	s1 =	sshrl.u32 s1, $0x2  }
0xbc: {  	s3 =	sand.u32 $0x4000, s31;
	s1 =	sadd.s32 s1, s30  }
0xbd: {  	s0 =	sor.u32 s3, s0;
	s1 =	sshll.u32 s1, $0x11  }
0xbe: {  	s0 =	sor.u32 s1, s0  }
0xbf: {  	s0 =	sadd.s32 $0x8F2B, s0  }
0xc0: {  	[sflag:s0] =	ssyncadd.remote.s32 $0x1  }
0xc1: {  	_ =	sfence.sel $0xFFFF  }
0xc2: {  	[dreg:$0x0] =	wrdreg $0xFFFFFFFF;
	(pc) =	sbr.abs _section_cstart, $3  }
0xc3: {  	[dreg:$0x1] =	wrdreg $0xFFFFFFFF  }
0xc4: {  	_ =	task.clear_ibuf [dreg:s8], $0x2FFFF;
	_ =	strace $0x9FFFFFFF  }
0xc5: {  	(tm) =	ssettm $0x7FFFFFFF  }
tec
execute0_lowered:
.L_overlay_start_1:
0x0: {  	(tag) =	ssettag $0x1  }
0x1: {  	s0 =	rddreg [dreg:$0x0]  }
0x2: {  	s12 =	rddreg [dreg:$0x1]  }
0x3: {  	s1 =	srdreg.scid;
	s5 =	rddreg [dreg:$0x2]  }
0x4: {  	s3 =	rddreg [dreg:$0x3];
	s8 =	sand.u32 $0x1, s1  }
0x5: {  	s4 =	simm.s32 $0x0;
	s1 =	stileid.u32;
	s6 =	smul.u32 $0x138800, s8  }
0x6: {  	s11 =	simm.s32 $0x208;
	s17 =	simm.s32 $0x13880;
	s7 =	smul.u32 $0x13C00, s1  }
0x7: {  	s18 =	simm.s32 $0x13980;
	s19 =	simm.s32 $0x1B980;
	s23 =	smul.u32 $0x27100, s8  }
0x8: {  	s20 =	simm.s32 $0x3;
	s21 =	simm.s32 $0x13900;
	s9 =	smul.u32 $0x2780, s1  }
0x9: {  	s22 =	simm.s32 $0x17980;
	[smem:$0x7FF] =	sst s4;
	s26 =	smul.u32 $0x4F000, s1  }
0xa: {  	_ =	strace $0x80000047;
	s24 =	ssub.s32 $0x2, s8;
	s16 =	smul.u32 $0x271000, s8  }
0xb: {  	p0 =	seq.s32 s1, $0xF;
	s30 =	smul.u32 $0x27800, s1;
	s25 =	sshrl.u32 s24, $0x1  }
0xc: {  	s11 =	simm.s32 @!p0 $0x278;
	s6 =	sadd.s32 s7, s6;
	s15 =	sadd.s32 s9, s23  }
0xd: {  	s13 =	ssub.s32 s24, s25;
	s14 =	smul.u32 $0x4ED, s11;
	s29 =	sshrl.u32 s26, $0x2  }
0xe: {  	s11 =	sshll.u32 s11, $0x4;
	s16 =	sadd.s32 s16, s12;
	s23 =	simm.s32 $0x1  }
0xf: {  	s24 =	simm.s32 $0x80;
	s25 =	simm.s32 $0x2;
	s26 =	simm.s32 $0x0  }
0x10: {  	s6 =	sshrl.u32 s6, $0x3;
	s7 =	sshrl.u32 s15, $0x2;
	s28 =	sshll.u32 s15, $0x4  }
0x11: {  	s31 =	sadd.s32 $0x80, s15;
	s13 =	smax.u32 s13, $0x1;
	s15 =	sadd.s32 $0x100, s15  }
0x12: {  	s10 =	sadd.s32 s6, s5;
	s5 =	sadd.s32 s0, s7;
	s6 =	sadd.s32 s12, s28  }
0x13: {  	s7 =	sadd.s32 s29, s3;
	s8 =	sshrl.u32 s14, $0x11;
	s12 =	ssub.s32 $0x0, s11  }
0x14: {  	s14 =	sadd.s32 s30, s16;
	s16 =	sshrl.u32 s31, $0x2;
	s9 =	sadd.s32 $0x13800, s7  }
0x15: {  	v0 =	vimm.f32 $0.0e+00;
	s10 =	sadd.s32 $0x600, s10;
	s14 =	sadd.s32 $0x1000, s14;
	s16 =	sadd.s32 s16, s0  }
.LBB2_1:
0x16: {  	[tilespmem:s17], [sflag:$0x1] =	stream.linear.gather [hbm4b:s5+s4], $0x80, $0x38;
	[tilespmem:$0x1ED80] =	vst v63  }
0x17: {  	s28 =	simm.s32 $0x0;
	s29 =	simm.s32 $0x200  }
0x18: {  	[tilespmem:s18], [sflag:$0x1] =	stream.linear.gather [hbm4b:s6+s4], $0x4000, $0x38;
	[tilespmem:$0x1ED80] =	vst v63  }
.LBB2_2:
0x19: {  	p1 =	sne.s32 s29, $0xCE00;
	[tilespmem:s28+$0x1B9F0] =	vst v0  }
0x1a: {  	[tilespmem:s28+$0x1B980] =	vst v0  }
0x1b: {  	[tilespmem:s28+$0x1B990] =	vst v0  }
.Ltmp0:
0x1c: {  	[tilespmem:s28+$0x1B9A0] =	vst v0;
	(pc) =	sbr.rel @p1 .LBB2_2-.Ltmp0, $4  }
0x1d: {  	[tilespmem:s28+$0x1B9B0] =	vst v0  }
0x1e: {  	[tilespmem:s28+$0x1B9C0] =	vst v0  }
0x1f: {  	[tilespmem:s28+$0x1B9D0] =	vst v0  }
0x20: {  	[tilespmem:s28+$0x1B9E0] =	vst v0;
	s28 =	sshra.s32 s29, $0x2;
	s29 =	sadd.s32 $0x200, s29  }
0x21: {  	[tilespmem:s28+$0x1B9F0] =	vst v0  }
0x22: {  	[tilespmem:s28+$0x1B980] =	vst v0  }
0x23: {  	[tilespmem:s28+$0x1B990] =	vst v0  }
0x24: {  	[tilespmem:s28+$0x1B9A0] =	vst v0  }
0x25: {  	[tilespmem:s28+$0x1B9B0] =	vst v0  }
0x26: {  	[tilespmem:s28+$0x1B9C0] =	vst v0;
	p1 =	sne.s32 s8, $0x1  }
.Ltmp1:
0x27: {  	[tilespmem:s28+$0x1B9D0] =	vst v0;
	(pc) =	sbr.rel @!p1 .LBB2_5-.Ltmp1, $4  }
0x28: {  	[tilespmem:s28+$0x1B9E0] =	vst v0  }
0x29: {  	[spmem:s7] =	stream.linear.scatter [tilespmem:s19], [sflag:$0x3], $0x3400, $0x38;
	[tilespmem:$0x1ED80] =	vst v63  }
0x2a: {  	_ =	swait.ge [sflag:s20], $0x3400  }
0x2b: {  	s28 =	sadd.s32 $0xFFFFFFFF, s8;
	s29 =	smov.u32 s7;
	[sflag:s20] =	ssyncset.done $0x0  }
.LBB2_4:
0x2c: {  	p1 =	sne.s32 s28, $0x1;
	[sflag:s20] =	ssyncadd.s32 $0xFFFFCC00;
	s29 =	sadd.s32 $0x3400, s29  }
.Ltmp2:
0x2d: {  	s28 =	sadd.s32 $0xFFFFFFFF, s28;
	(pc) =	sbr.rel @p1 .LBB2_4-.Ltmp2, $4  }
0x2e: {  	_ = 	snop  }
0x2f: {  	[spmem:s29] =	stream.linear.scatter [tilespmem:s19], [sflag:$0x3], $0x3400, $0x38;
	[tilespmem:$0x1ED80] =	vst v63  }
0x30: {  	_ =	swait.ge [sflag:s20], $0x3400  }
0x31: {  	[sflag:s20] =	ssyncset.done $0x0  }
.LBB2_5:
0x32: {  	[sflag:s20] =	ssyncadd.s32 $0xFFFFCC00;
	s28 =	simm.s32 @!p0 $0x1B980  }
0x33: {  	[spmem:s9] =	stream.linear.scatter @!p0 [tilespmem:s28], [sflag:$0x3], $0x400, $0x38;
	[tilespmem:$0x1ED80] =	vst v63  }
0x34: {  	s28 =	simm.s32 @!p0 $0x3  }
0x35: {  	_ =	swait.ge @!p0 [sflag:s28], $0x400  }
0x36: {  	[sflag:s28] =	ssyncset.done @!p0 $0x0  }
0x37: {  	[sflag:s28] =	ssyncadd.s32 @!p0 $0xFFFFFC00  }
0x38: {  	[bflag:$0x0] =	sbarrier.arrive $0xFFFF  }
0x39: {  	[tilespmem:s21], [sflag:$0x2] =	stream.linear.gather [hbm4b:s16+s4], $0x80, $0x38;
	[tilespmem:$0x1ED80] =	vst v63  }
0x3a: {  	s28 =	sadd.s32 $0xFFFFF800, s14  }
0x3b: {  	[tilespmem:s22], [sflag:$0x2] =	stream.linear.gather [hbm4b:s28+s4], $0x4000, $0x38;
	[tilespmem:$0x1ED80] =	vst v63  }
0x3c: {  	_ =	swait.ge [sflag:s23], $0x80  }
0x3d: {  	[sflag:s23] =	ssyncset.done $0x0  }
0x3e: {  	[sflag:s23] =	ssyncadd.s32 $0xFFFFFF80  }
0x3f: {  	_ =	swait.ge [sflag:s23], $0x4000  }
0x40: {  	[sflag:s23] =	ssyncset.done $0x0  }
0x41: {  	[sflag:s23] =	ssyncadd.s32 $0xFFFFC000  }
0x42: {  	[spmem:s3] =	stream.indirect.scatter.add.f32 [tilespmem:s18], [sflag:$0x3], $0x80, s17, s24, $0xb8;
	[tilespmem:$0x1ED80] =	vst v63  }
0x43: {  	s28 =	sshrl.u32 s15, $0x2;
	_ =	swait.ge [sflag:s20], $0x4000  }
0x44: {  	s28 =	sand.u32 $0x1FFFFFE0, s28;
	[sflag:s20] =	ssyncset.done $0x0  }
0x45: {  	s28 =	sadd.s32 s0, s28;
	[sflag:s20] =	ssyncadd.s32 $0xFFFFC000  }
0x46: {  	[tilespmem:s17], [sflag:$0x1] =	stream.linear.gather [hbm4b:s28+s4], $0x80, $0x38;
	[tilespmem:$0x1ED80] =	vst v63  }
0x47: {  	_ = 	snop  }
0x48: {  	[tilespmem:s18], [sflag:$0x1] =	stream.linear.gather [hbm4b:s14+s4], $0x4000, $0x38;
	[tilespmem:$0x1ED80] =	vst v63  }
0x49: {  	_ =	swait.ge [sflag:s25], $0x80  }
0x4a: {  	s28 =	simm.s32 @!p0 $0x27;
	[sflag:s25] =	ssyncset.done $0x0  }
0x4b: {  	s28 =	simm.s32 @p0 $0x20;
	[sflag:s25] =	ssyncadd.s32 $0xFFFFFF80  }
0x4c: {  	p1 =	sne.s32 s28, $0x1;
	_ =	swait.ge [sflag:s25], $0x4000  }
.Ltmp3:
0x4d: {  	[sflag:s25] =	ssyncset.done $0x0;
	(pc) =	sbr.rel @!p1 .LBB2_7-.Ltmp3, $4  }
0x4e: {  	[sflag:s25] =	ssyncadd.s32 $0xFFFFC000  }
0x4f: {  	[spmem:s3] =	stream.indirect.scatter.add.f32 [tilespmem:s22], [sflag:$0x3], $0x80, s21, s24, $0xb8;
	[tilespmem:$0x1ED80] =	vst v63  }
0x50: {  	s29 =	sadd.s32 $0x40, s16;
	s30 =	smov.u32 s14;
	_ =	swait.ge [sflag:s20], $0x4000  }
0x51: {  	s31 =	smov.u32 s15;
	s28 =	sadd.s32 $0xFFFFFFFF, s28;
	[sflag:s20] =	ssyncset.done $0x0  }
.LBB2_6:
0x52: {  	[sflag:s20] =	ssyncadd.s32 $0xFFFFC000;
	s30 =	sadd.s32 $0x1000, s30;
	s31 =	sadd.s32 $0x100, s31  }
0x53: {  	[tilespmem:s21], [sflag:$0x2] =	stream.linear.gather [hbm4b:s29+s4], $0x80, $0x38;
	[tilespmem:$0x1ED80] =	vst v63  }
0x54: {  	p1 =	sne.s32 s28, $0x1;
	s28 =	sadd.s32 $0xFFFFFFFF, s28;
	s2 =	sadd.s32 $0xFFFFF800, s30  }
0x55: {  	[tilespmem:s22], [sflag:$0x2] =	stream.linear.gather [hbm4b:s2+s4], $0x4000, $0x38;
	[tilespmem:$0x1ED80] =	vst v63  }
0x56: {  	_ =	swait.ge [sflag:s23], $0x80  }
0x57: {  	[sflag:s23] =	ssyncset.done $0x0  }
0x58: {  	[sflag:s23] =	ssyncadd.s32 $0xFFFFFF80  }
0x59: {  	_ =	swait.ge [sflag:s23], $0x4000  }
0x5a: {  	[sflag:s23] =	ssyncset.done $0x0  }
0x5b: {  	[sflag:s23] =	ssyncadd.s32 $0xFFFFC000  }
0x5c: {  	[spmem:s3] =	stream.indirect.scatter.add.f32 [tilespmem:s18], [sflag:$0x3], $0x80, s17, s24, $0xb8;
	[tilespmem:$0x1ED80] =	vst v63  }
0x5d: {  	s2 =	sshrl.u32 s31, $0x2;
	_ =	swait.ge [sflag:s20], $0x4000  }
0x5e: {  	s2 =	sand.u32 $0x1FFFFFE0, s2;
	[sflag:s20] =	ssyncset.done $0x0  }
0x5f: {  	s2 =	sadd.s32 s0, s2;
	[sflag:s20] =	ssyncadd.s32 $0xFFFFC000  }
0x60: {  	[tilespmem:s17], [sflag:$0x1] =	stream.linear.gather [hbm4b:s2+s4], $0x80, $0x38;
	[tilespmem:$0x1ED80] =	vst v63  }
0x61: {  	_ = 	snop  }
0x62: {  	[tilespmem:s18], [sflag:$0x1] =	stream.linear.gather [hbm4b:s30+s4], $0x4000, $0x38;
	[tilespmem:$0x1ED80] =	vst v63  }
0x63: {  	_ =	swait.ge [sflag:s25], $0x80  }
0x64: {  	[sflag:s25] =	ssyncset.done $0x0  }
0x65: {  	[sflag:s25] =	ssyncadd.s32 $0xFFFFFF80  }
0x66: {  	_ =	swait.ge [sflag:s25], $0x4000  }
.Ltmp4:
0x67: {  	[sflag:s25] =	ssyncset.done $0x0;
	(pc) =	sbr.rel @p1 .LBB2_6-.Ltmp4, $4  }
0x68: {  	[sflag:s25] =	ssyncadd.s32 $0xFFFFC000  }
0x69: {  	[spmem:s3] =	stream.indirect.scatter.add.f32 [tilespmem:s22], [sflag:$0x3], $0x80, s21, s24, $0xb8;
	[tilespmem:$0x1ED80] =	vst v63  }
0x6a: {  	_ =	swait.ge [sflag:s20], $0x4000  }
0x6b: {  	s29 =	sadd.s32 $0x40, s29;
	[sflag:s20] =	ssyncset.done $0x0  }
.LBB2_7:
0x6c: {  	[sflag:s20] =	ssyncadd.s32 $0xFFFFC000  }
0x6d: {  	_ =	swait.ge [sflag:s23], $0x80  }
0x6e: {  	[sflag:s23] =	ssyncset.done $0x0  }
0x6f: {  	[sflag:s23] =	ssyncadd.s32 $0xFFFFFF80  }
0x70: {  	_ =	swait.ge [sflag:s23], $0x4000  }
0x71: {  	[sflag:s23] =	ssyncset.done $0x0  }
0x72: {  	[sflag:s23] =	ssyncadd.s32 $0xFFFFC000  }
0x73: {  	[spmem:s3] =	stream.indirect.scatter.add.f32 [tilespmem:s18], [sflag:$0x3], $0x80, s17, s24, $0xb8;
	[tilespmem:$0x1ED80] =	vst v63  }
0x74: {  	_ =	swait.ge [sflag:s20], $0x4000  }
0x75: {  	s2 =	sshll.u32 s1, $0x6;
	s26 =	sadd.s32 $0x1, s26;
	[sflag:s20] =	ssyncset.done $0x0  }
0x76: {  	s28 =	sshrl.u32 s7, $0x3;
	p1 =	sne.s32 s26, s13;
	[sflag:s20] =	ssyncadd.s32 $0xFFFFC000  }
.Ltmp5:
0x77: {  	s2 =	sor.u32 $0x1C03, s2;
	[bflag:$0x0] =	sbarrier.arrive $0xFFFF;
	(pc) =	sbr.rel @p1 .LBB2_1-.Ltmp5, $4  }
0x78: {  	[hbm:s10], [sflag:s2] =	dma.local [spmem:s28], s11  }
0x79: {  	_ =	swait.ge [sflag:s20], s11  }
0x7a: {  	[sflag:s20] =	ssyncset.done $0x0  }
0x7b: {  	[sflag:s20] =	ssyncadd.s32 s12  }
0x7c: {  	_ =	sfence.sel $0x180000  }
0x7d: {  	[bflag:$0x0] =	sbarrier.arrive $0xFFFF  }
0x7e: {  	_ =	strace $0x90000047  }
0x7f: {  	[bflag:$0x2] =	sbarrier.arrive $0xFFFF  }
0x80: {  	p0 =	sne.s32 s1, $0x0;
	s0 =	rddreg [dreg:$0x4]  }
0x81: {  	s0 =	sadd.s32 @!p0 $0x100000, s0  }
0x82: {  	[sflag:s0] =	ssyncadd.tile.s32 @!p0 $0x1;
	_ =	shalt  }
.Lfunc_end2:
_tile_overlayer_lowered:
.L_overlay_start_2:
0x83: {  	(tag) =	ssettag $0x2  }
0x84: {  	s0 =	rddreg [dreg:$0x0];
	s2 =	stileid.u32  }
0x85: {  	s1 =	rddreg [dreg:$0x1];
	p0 =	sne.s32 s2, $0x0  }
0x86: {  	s3 =	rddreg [dreg:$0x2];
	[bflag:$0x3] =	sbarrier.arrive $0xFFFF;
	s2 =	simm.s32 @!p0 $0x1C03  }
0x87: {  	[timem:s3], [sflag:s2] =	dma.local @!p0 [hbm:s0], s1  }
0x88: {  	s0 =	simm.s32 @!p0 $0x3  }
0x89: {  	_ =	swait.ge @!p0 [sflag:s0], s1  }
0x8a: {  	s1 =	ssub.s32 @!p0 $0x0, s1;
	[sflag:s0] =	ssyncset.done @!p0 $0x0  }
0x8b: {  	[sflag:s0] =	ssyncadd.s32 @!p0 s1  }
0x8c: {  	[bflag:$0x3] =	sbarrier.arrive $0xFFFF  }
0x8d: {  	_ =	shalt  }

</sc_bundles>
